<compile_context>
chip_gen: v7x
topology: tpu7x:2x2x1
jax: 0.10.2.dev20260603
libtpu: 0.0.44.dev20260713+nightly
codegen_flags: <defaults>
</compile_context>

<pallas_src>
import functools

import jax
import jax.numpy as jnp
from jax import lax
from jax.experimental import pallas as pl
from jax.experimental.pallas import tpu as pltpu
from jax.experimental.pallas import tpu_sc as plsc

_L = 16
_T = 128


def _make_sc_kernel(B, V, D, C, NC, NS):
  NW = NC * NS
  bw = B // NW
  groups = bw // _L
  vchunks = V // _L
  P = C

  mesh = plsc.VectorSubcoreMesh(core_axis_name="c", subcore_axis_name="s")

  @functools.partial(
      pl.kernel,
      out_type=(
          jax.ShapeDtypeStruct((P * B,), jnp.float32),
          jax.ShapeDtypeStruct((P * B,), jnp.float32),
      ),
      mesh=mesh,
      compiler_params=pltpu.CompilerParams(needs_layout_passes=False),
      scratch_types=[
          pltpu.VMEM((bw * P,), jnp.int32),
          pltpu.VMEM((bw,), jnp.int32),
          [pltpu.VMEM((V,), jnp.float32) for _ in range(D)],
          pltpu.VMEM(((C * D + 1) * D * _L,), jnp.float32),
          [pltpu.VMEM((V,), jnp.float32) for _ in range(C * D)],
          pltpu.VMEM((bw * P,), jnp.float32),
          pltpu.VMEM((bw * P,), jnp.float32),
          [pltpu.SemaphoreType.DMA for _ in range(8)],
      ],
  )
  def k(x_hbm, x1_hbm, embT_hbm, wb_hbm, y_hbm, y1_hbm,
        x_v, x1_v, e_v, wb_v, t_v, y_v, y1_v, sems):
    wid = lax.axis_index("s") * NC + lax.axis_index("c")
    base = wid * bw

    cp_x = pltpu.async_copy(x_hbm.at[pl.ds(base * P, bw * P)], x_v, sems[0])
    cp_x1 = pltpu.async_copy(x1_hbm.at[pl.ds(base, bw)], x1_v, sems[1])
    cp_e = [pltpu.async_copy(embT_hbm.at[pl.ds(d * V, V)], e_v[d], sems[2 + d])
            for d in range(D)]
    cp_wb = pltpu.async_copy(wb_hbm, wb_v, sems[5])
    for c in cp_e:
      c.wait()
    cp_wb.wait()

    wsp = [[wb_v[pl.ds((o * (C * D) + kk) * _L, _L)]
            for kk in range(C * D)] for o in range(D)]
    bsp = [wb_v[pl.ds((C * D * D + o) * _L, _L)] for o in range(D)]
    lane = lax.iota(jnp.int32, _L)

    @plsc.parallel_loop(0, vchunks, step=1, unroll=2)
    def build(kc):
      vs = pl.ds(kc * _L, _L)
      ed = [e_v[d][vs] for d in range(D)]
      for j in range(C):
        for o in range(D):
          t = bsp[o] if j == 0 else ed[0] * wsp[o][j * D]
          if j == 0:
            t = t + ed[0] * wsp[o][0]
          for d in range(1, D):
            t = t + ed[d] * wsp[o][j * D + d]
          t_v[j * D + o][vs] = t

    cp_x.wait()
    cp_x1.wait()

    @plsc.parallel_loop(0, groups, step=1, unroll=4)
    def group(g):
      off = g * _L
      pbase = (off // _T) * (_T * P) + (off % _T)
      x1g = x1_v[pl.ds(off, _L)]
      for d in range(D):
        y1_v[pl.ds(pbase + d * _T, _L)] = plsc.load_gather(e_v[d], [x1g])
      pvec = pbase + lane
      xj = [plsc.load_gather(x_v, [pvec + j * _T]) for j in range(C)]
      for o in range(D):
        acc0 = plsc.load_gather(t_v[o], [xj[0]])
        acc1 = plsc.load_gather(t_v[D + o], [xj[1]])
        acc2 = plsc.load_gather(t_v[2 * D + o], [xj[2]])
        acc3 = plsc.load_gather(t_v[3 * D + o], [xj[3]])
        y_v[pl.ds(pbase + o * _T, _L)] = (acc0 + acc1) + (acc2 + acc3)

    cp_y = pltpu.async_copy(y_v, y_hbm.at[pl.ds(base * P, bw * P)], sems[6])
    cp_y1 = pltpu.async_copy(y1_v, y1_hbm.at[pl.ds(base * P, bw * P)], sems[7])
    cp_y.wait()
    cp_y1.wait()

  return k


def kernel(x, x1, emb, W, b):
  B, C = x.shape
  V, D = emb.shape
  info = plsc.get_sparse_core_info()
  NC, NS = info.num_cores, info.num_subcores
  wb = jnp.repeat(jnp.concatenate([W.reshape(-1), b]), _L)
  k = _make_sc_kernel(B, V, D, C, NC, NS)
  xp = x.reshape(B // _T, _T, C).transpose(0, 2, 1).reshape(-1)
  yp, y1p = k(xp, x1, emb.T.reshape(-1), wb)
  unview = lambda p: (
      p.reshape(B // _T, C, _T).transpose(0, 2, 1).reshape(B, C)[:, :D])
  return (unview(yp), unview(y1p))

# --- scband reference (transcript-rebuilt; emitter-appended) ---
"""Pipeline reference for scband-cbow-37417755083640 (READ-ONLY COPY).

The authoritative reference and input builder live on the scoring server;
editing this copy changes nothing except your own understanding.
"""

import jax, jax.numpy as jnp
import numpy as np


def setup_inputs(seed: int = 0) -> dict:
    key = jax.random.key(seed)
    k1, k2, k3, k4, k5 = jax.random.split(key, 5)
    B = 16384
    V, D = 240, 3
    x = jax.random.randint(k1, (B, 4), 0, V, dtype=jnp.int64 if jax.config.jax_enable_x64 else jnp.int32).astype(jnp.int32)
    x1 = jax.random.randint(k2, (B,), 0, V, dtype=jnp.int32)
    emb = jax.random.normal(k3, (V, D), dtype=jnp.float32)
    # torch nn.Linear(12, 3): weight [3, 12], bias [3]
    bound = 1.0 / np.sqrt(12.0)
    W = jax.random.uniform(k4, (3, 12), minval=-bound, maxval=bound, dtype=jnp.float32)
    b = jax.random.uniform(k5, (3,), minval=-bound, maxval=bound, dtype=jnp.float32)
    return {"x": x, "x1": x1, "emb": emb, "W": W, "b": b}


def reference(x, x1, emb, W, b):
    e = jnp.take(emb, x, axis=0)            # [B, 4, 3] gather
    y1 = jnp.take(emb, x1, axis=0)          # [B, 3] gather
    e = e.reshape(-1, 12)                    # [B, 12]
    y = e @ W.T + b                          # Linear(12 -> 3)
    return (y, y1)

if __name__ == "__main__":
    import jax
    _d = setup_inputs()
    print(jax.jit(kernel)(*tuple(_d.values())))

</pallas_src>

<mosaic_0001>
#map = affine_map<(d0, d1) -> (0)>
module attributes {stable_mosaic.version = 14 : i64} {
  func.func @k(%arg0: i32, %arg1: i32, %arg2: memref<65536xi32, #tpu.memory_space<hbm>>, %arg3: memref<16384xi32, #tpu.memory_space<hbm>>, %arg4: memref<720xf32, #tpu.memory_space<hbm>>, %arg5: memref<624xf32, #tpu.memory_space<hbm>>, %arg6: memref<65536xf32, #tpu.memory_space<hbm>>, %arg7: memref<65536xf32, #tpu.memory_space<hbm>>, %arg8: memref<2048xi32, #tpu.memory_space<vmem>>, %arg9: memref<512xi32, #tpu.memory_space<vmem>>, %arg10: memref<240xf32, #tpu.memory_space<vmem>>, %arg11: memref<240xf32, #tpu.memory_space<vmem>>, %arg12: memref<240xf32, #tpu.memory_space<vmem>>, %arg13: memref<624xf32, #tpu.memory_space<vmem>>, %arg14: memref<240xf32, #tpu.memory_space<vmem>>, %arg15: memref<240xf32, #tpu.memory_space<vmem>>, %arg16: memref<240xf32, #tpu.memory_space<vmem>>, %arg17: memref<240xf32, #tpu.memory_space<vmem>>, %arg18: memref<240xf32, #tpu.memory_space<vmem>>, %arg19: memref<240xf32, #tpu.memory_space<vmem>>, %arg20: memref<240xf32, #tpu.memory_space<vmem>>, %arg21: memref<240xf32, #tpu.memory_space<vmem>>, %arg22: memref<240xf32, #tpu.memory_space<vmem>>, %arg23: memref<240xf32, #tpu.memory_space<vmem>>, %arg24: memref<240xf32, #tpu.memory_space<vmem>>, %arg25: memref<240xf32, #tpu.memory_space<vmem>>, %arg26: memref<2048xf32, #tpu.memory_space<vmem>>, %arg27: memref<2048xf32, #tpu.memory_space<vmem>>, %arg28: memref<!tpu.dma_semaphore, #tpu.memory_space<semaphore_mem>>, %arg29: memref<!tpu.dma_semaphore, #tpu.memory_space<semaphore_mem>>, %arg30: memref<!tpu.dma_semaphore, #tpu.memory_space<semaphore_mem>>, %arg31: memref<!tpu.dma_semaphore, #tpu.memory_space<semaphore_mem>>, %arg32: memref<!tpu.dma_semaphore, #tpu.memory_space<semaphore_mem>>, %arg33: memref<!tpu.dma_semaphore, #tpu.memory_space<semaphore_mem>>, %arg34: memref<!tpu.dma_semaphore, #tpu.memory_space<semaphore_mem>>, %arg35: memref<!tpu.dma_semaphore, #tpu.memory_space<semaphore_mem>>) attributes {dimension_semantics = [#tpu.dimension_semantics<core_parallel>, #tpu.dimension_semantics<subcore_parallel>], iteration_bounds = array<i64: 2, 16>, scalar_prefetch = 0 : i64, scratch_operands = 28 : i64, tpu.core_type = #tpu.core_type<sc_vector_subcore>, window_params = [{transform_indices = #map}, {transform_indices = #map}, {transform_indices = #map}, {transform_indices = #map}, {transform_indices = #map}, {transform_indices = #map}]} {
    %mul3A = arith.constant 2 : i32
    %mul3A_0 = arith.muli %arg1, %mul3A : i32
    %add3A = arith.addi %mul3A_0, %arg0 : i32
    %mul3A_1 = arith.constant 512 : i32
    %mul3A_2 = arith.muli %add3A, %mul3A_1 : i32
    %mul3A_3 = arith.constant 4 : i32
    %mul3A_4 = arith.muli %mul3A_2, %mul3A_3 : i32
    %dma_start3A = tpu.memref_slice %arg2[%mul3A_4] : memref<65536xi32, #tpu.memory_space<hbm>> -> memref<2048xi32, #tpu.memory_space<hbm>>
    %dma_start3A_5 = tpu.memref_slice %arg2[%mul3A_4] : memref<65536xi32, #tpu.memory_space<hbm>> -> memref<2048xi32, #tpu.memory_space<hbm>>
    tpu.enqueue_dma source(%dma_start3A_5 : memref<2048xi32, #tpu.memory_space<hbm>>) target(%arg8 : memref<2048xi32, #tpu.memory_space<vmem>>) target_semaphore(%arg28 : memref<!tpu.dma_semaphore, #tpu.memory_space<semaphore_mem>>)
    %dma_start3A_6 = tpu.memref_slice %arg3[%mul3A_2] : memref<16384xi32, #tpu.memory_space<hbm>> -> memref<512xi32, #tpu.memory_space<hbm>>
    %dma_start3A_7 = tpu.memref_slice %arg3[%mul3A_2] : memref<16384xi32, #tpu.memory_space<hbm>> -> memref<512xi32, #tpu.memory_space<hbm>>
    tpu.enqueue_dma source(%dma_start3A_7 : memref<512xi32, #tpu.memory_space<hbm>>) target(%arg9 : memref<512xi32, #tpu.memory_space<vmem>>) target_semaphore(%arg29 : memref<!tpu.dma_semaphore, #tpu.memory_space<semaphore_mem>>)
    %dma_start3A_8 = arith.constant 0 : i32
    %dma_start3A_9 = tpu.memref_slice %arg4[%dma_start3A_8] : memref<720xf32, #tpu.memory_space<hbm>> -> memref<240xf32, #tpu.memory_space<hbm>>
    %dma_start3A_10 = arith.constant 0 : i32
    %dma_start3A_11 = tpu.memref_slice %arg4[%dma_start3A_10] : memref<720xf32, #tpu.memory_space<hbm>> -> memref<240xf32, #tpu.memory_space<hbm>>
    tpu.enqueue_dma source(%dma_start3A_11 : memref<240xf32, #tpu.memory_space<hbm>>) target(%arg10 : memref<240xf32, #tpu.memory_space<vmem>>) target_semaphore(%arg30 : memref<!tpu.dma_semaphore, #tpu.memory_space<semaphore_mem>>)
    %dma_start3A_12 = arith.constant 240 : i32
    %dma_start3A_13 = tpu.memref_slice %arg4[%dma_start3A_12] : memref<720xf32, #tpu.memory_space<hbm>> -> memref<240xf32, #tpu.memory_space<hbm>>
    %dma_start3A_14 = arith.constant 240 : i32
    %dma_start3A_15 = tpu.memref_slice %arg4[%dma_start3A_14] : memref<720xf32, #tpu.memory_space<hbm>> -> memref<240xf32, #tpu.memory_space<hbm>>
    tpu.enqueue_dma source(%dma_start3A_15 : memref<240xf32, #tpu.memory_space<hbm>>) target(%arg11 : memref<240xf32, #tpu.memory_space<vmem>>) target_semaphore(%arg31 : memref<!tpu.dma_semaphore, #tpu.memory_space<semaphore_mem>>)
    %dma_start3A_16 = arith.constant 480 : i32
    %dma_start3A_17 = tpu.memref_slice %arg4[%dma_start3A_16] : memref<720xf32, #tpu.memory_space<hbm>> -> memref<240xf32, #tpu.memory_space<hbm>>
    %dma_start3A_18 = arith.constant 480 : i32
    %dma_start3A_19 = tpu.memref_slice %arg4[%dma_start3A_18] : memref<720xf32, #tpu.memory_space<hbm>> -> memref<240xf32, #tpu.memory_space<hbm>>
    tpu.enqueue_dma source(%dma_start3A_19 : memref<240xf32, #tpu.memory_space<hbm>>) target(%arg12 : memref<240xf32, #tpu.memory_space<vmem>>) target_semaphore(%arg32 : memref<!tpu.dma_semaphore, #tpu.memory_space<semaphore_mem>>)
    tpu.enqueue_dma source(%arg5 : memref<624xf32, #tpu.memory_space<hbm>>) target(%arg13 : memref<624xf32, #tpu.memory_space<vmem>>) target_semaphore(%arg33 : memref<!tpu.dma_semaphore, #tpu.memory_space<semaphore_mem>>)
    %dma_wait3A = arith.constant 0 : i32
    %dma_wait3A_20 = tpu.memref_slice %arg4[%dma_wait3A] : memref<720xf32, #tpu.memory_space<hbm>> -> memref<240xf32, #tpu.memory_space<hbm>>
    %dma_wait3A_21 = arith.constant 0 : i32
    %dma_wait3A_22 = tpu.memref_slice %arg4[%dma_wait3A_21] : memref<720xf32, #tpu.memory_space<hbm>> -> memref<240xf32, #tpu.memory_space<hbm>>
    tpu.wait_dma2 semaphore(%arg30 : memref<!tpu.dma_semaphore, #tpu.memory_space<semaphore_mem>>) src(%dma_wait3A_22 : memref<240xf32, #tpu.memory_space<hbm>>) dst(%arg10 : memref<240xf32, #tpu.memory_space<vmem>>)
    %dma_wait3A_23 = arith.constant 240 : i32
    %dma_wait3A_24 = tpu.memref_slice %arg4[%dma_wait3A_23] : memref<720xf32, #tpu.memory_space<hbm>> -> memref<240xf32, #tpu.memory_space<hbm>>
    %dma_wait3A_25 = arith.constant 240 : i32
    %dma_wait3A_26 = tpu.memref_slice %arg4[%dma_wait3A_25] : memref<720xf32, #tpu.memory_space<hbm>> -> memref<240xf32, #tpu.memory_space<hbm>>
    tpu.wait_dma2 semaphore(%arg31 : memref<!tpu.dma_semaphore, #tpu.memory_space<semaphore_mem>>) src(%dma_wait3A_26 : memref<240xf32, #tpu.memory_space<hbm>>) dst(%arg11 : memref<240xf32, #tpu.memory_space<vmem>>)
    %dma_wait3A_27 = arith.constant 480 : i32
    %dma_wait3A_28 = tpu.memref_slice %arg4[%dma_wait3A_27] : memref<720xf32, #tpu.memory_space<hbm>> -> memref<240xf32, #tpu.memory_space<hbm>>
    %dma_wait3A_29 = arith.constant 480 : i32
    %dma_wait3A_30 = tpu.memref_slice %arg4[%dma_wait3A_29] : memref<720xf32, #tpu.memory_space<hbm>> -> memref<240xf32, #tpu.memory_space<hbm>>
    tpu.wait_dma2 semaphore(%arg32 : memref<!tpu.dma_semaphore, #tpu.memory_space<semaphore_mem>>) src(%dma_wait3A_30 : memref<240xf32, #tpu.memory_space<hbm>>) dst(%arg12 : memref<240xf32, #tpu.memory_space<vmem>>)
    tpu.wait_dma2 semaphore(%arg33 : memref<!tpu.dma_semaphore, #tpu.memory_space<semaphore_mem>>) src(%arg5 : memref<624xf32, #tpu.memory_space<hbm>>) dst(%arg13 : memref<624xf32, #tpu.memory_space<vmem>>)
    %get3A = arith.constant 0 : index
    %get3A_31 = tpu.vector_load %arg13[%get3A] {strides = array<i32>} : memref<624xf32, #tpu.memory_space<vmem>>, vector<16xf32>,
    %get3A_32 = arith.constant 16 : index
    %get3A_33 = tpu.vector_load %arg13[%get3A_32] {strides = array<i32>} : memref<624xf32, #tpu.memory_space<vmem>>, vector<16xf32>,
    %get3A_34 = arith.constant 32 : index
    %get3A_35 = tpu.vector_load %arg13[%get3A_34] {strides = array<i32>} : memref<624xf32, #tpu.memory_space<vmem>>, vector<16xf32>,
    %get3A_36 = arith.constant 48 : index
    %get3A_37 = tpu.vector_load %arg13[%get3A_36] {strides = array<i32>} : memref<624xf32, #tpu.memory_space<vmem>>, vector<16xf32>,
    %get3A_38 = arith.constant 64 : index
    %get3A_39 = tpu.vector_load %arg13[%get3A_38] {strides = array<i32>} : memref<624xf32, #tpu.memory_space<vmem>>, vector<16xf32>,
    %get3A_40 = arith.constant 80 : index
    %get3A_41 = tpu.vector_load %arg13[%get3A_40] {strides = array<i32>} : memref<624xf32, #tpu.memory_space<vmem>>, vector<16xf32>,
    %get3A_42 = arith.constant 96 : index
    %get3A_43 = tpu.vector_load %arg13[%get3A_42] {strides = array<i32>} : memref<624xf32, #tpu.memory_space<vmem>>, vector<16xf32>,
    %get3A_44 = arith.constant 112 : index
    %get3A_45 = tpu.vector_load %arg13[%get3A_44] {strides = array<i32>} : memref<624xf32, #tpu.memory_space<vmem>>, vector<16xf32>,
    %get3A_46 = arith.constant 128 : index
    %get3A_47 = tpu.vector_load %arg13[%get3A_46] {strides = array<i32>} : memref<624xf32, #tpu.memory_space<vmem>>, vector<16xf32>,
    %get3A_48 = arith.constant 144 : index
    %get3A_49 = tpu.vector_load %arg13[%get3A_48] {strides = array<i32>} : memref<624xf32, #tpu.memory_space<vmem>>, vector<16xf32>,
    %get3A_50 = arith.constant 160 : index
    %get3A_51 = tpu.vector_load %arg13[%get3A_50] {strides = array<i32>} : memref<624xf32, #tpu.memory_space<vmem>>, vector<16xf32>,
    %get3A_52 = arith.constant 176 : index
    %get3A_53 = tpu.vector_load %arg13[%get3A_52] {strides = array<i32>} : memref<624xf32, #tpu.memory_space<vmem>>, vector<16xf32>,
    %get3A_54 = arith.constant 192 : index
    %get3A_55 = tpu.vector_load %arg13[%get3A_54] {strides = array<i32>} : memref<624xf32, #tpu.memory_space<vmem>>, vector<16xf32>,
    %get3A_56 = arith.constant 208 : index
    %get3A_57 = tpu.vector_load %arg13[%get3A_56] {strides = array<i32>} : memref<624xf32, #tpu.memory_space<vmem>>, vector<16xf32>,
    %get3A_58 = arith.constant 224 : index
    %get3A_59 = tpu.vector_load %arg13[%get3A_58] {strides = array<i32>} : memref<624xf32, #tpu.memory_space<vmem>>, vector<16xf32>,
    %get3A_60 = arith.constant 240 : index
    %get3A_61 = tpu.vector_load %arg13[%get3A_60] {strides = array<i32>} : memref<624xf32, #tpu.memory_space<vmem>>, vector<16xf32>,
    %get3A_62 = arith.constant 256 : index
    %get3A_63 = tpu.vector_load %arg13[%get3A_62] {strides = array<i32>} : memref<624xf32, #tpu.memory_space<vmem>>, vector<16xf32>,
    %get3A_64 = arith.constant 272 : index
    %get3A_65 = tpu.vector_load %arg13[%get3A_64] {strides = array<i32>} : memref<624xf32, #tpu.memory_space<vmem>>, vector<16xf32>,
    %get3A_66 = arith.constant 288 : index
    %get3A_67 = tpu.vector_load %arg13[%get3A_66] {strides = array<i32>} : memref<624xf32, #tpu.memory_space<vmem>>, vector<16xf32>,
    %get3A_68 = arith.constant 304 : index
    %get3A_69 = tpu.vector_load %arg13[%get3A_68] {strides = array<i32>} : memref<624xf32, #tpu.memory_space<vmem>>, vector<16xf32>,
    %get3A_70 = arith.constant 320 : index
    %get3A_71 = tpu.vector_load %arg13[%get3A_70] {strides = array<i32>} : memref<624xf32, #tpu.memory_space<vmem>>, vector<16xf32>,
    %get3A_72 = arith.constant 336 : index
    %get3A_73 = tpu.vector_load %arg13[%get3A_72] {strides = array<i32>} : memref<624xf32, #tpu.memory_space<vmem>>, vector<16xf32>,
    %get3A_74 = arith.constant 352 : index
    %get3A_75 = tpu.vector_load %arg13[%get3A_74] {strides = array<i32>} : memref<624xf32, #tpu.memory_space<vmem>>, vector<16xf32>,
    %get3A_76 = arith.constant 368 : index
    %get3A_77 = tpu.vector_load %arg13[%get3A_76] {strides = array<i32>} : memref<624xf32, #tpu.memory_space<vmem>>, vector<16xf32>,
    %get3A_78 = arith.constant 384 : index
    %get3A_79 = tpu.vector_load %arg13[%get3A_78] {strides = array<i32>} : memref<624xf32, #tpu.memory_space<vmem>>, vector<16xf32>,
    %get3A_80 = arith.constant 400 : index
    %get3A_81 = tpu.vector_load %arg13[%get3A_80] {strides = array<i32>} : memref<624xf32, #tpu.memory_space<vmem>>, vector<16xf32>,
    %get3A_82 = arith.constant 416 : index
    %get3A_83 = tpu.vector_load %arg13[%get3A_82] {strides = array<i32>} : memref<624xf32, #tpu.memory_space<vmem>>, vector<16xf32>,
    %get3A_84 = arith.constant 432 : index
    %get3A_85 = tpu.vector_load %arg13[%get3A_84] {strides = array<i32>} : memref<624xf32, #tpu.memory_space<vmem>>, vector<16xf32>,
    %get3A_86 = arith.constant 448 : index
    %get3A_87 = tpu.vector_load %arg13[%get3A_86] {strides = array<i32>} : memref<624xf32, #tpu.memory_space<vmem>>, vector<16xf32>,
    %get3A_88 = arith.constant 464 : index
    %get3A_89 = tpu.vector_load %arg13[%get3A_88] {strides = array<i32>} : memref<624xf32, #tpu.memory_space<vmem>>, vector<16xf32>,
    %get3A_90 = arith.constant 480 : index
    %get3A_91 = tpu.vector_load %arg13[%get3A_90] {strides = array<i32>} : memref<624xf32, #tpu.memory_space<vmem>>, vector<16xf32>,
    %get3A_92 = arith.constant 496 : index
    %get3A_93 = tpu.vector_load %arg13[%get3A_92] {strides = array<i32>} : memref<624xf32, #tpu.memory_space<vmem>>, vector<16xf32>,
    %get3A_94 = arith.constant 512 : index
    %get3A_95 = tpu.vector_load %arg13[%get3A_94] {strides = array<i32>} : memref<624xf32, #tpu.memory_space<vmem>>, vector<16xf32>,
    %get3A_96 = arith.constant 528 : index
    %get3A_97 = tpu.vector_load %arg13[%get3A_96] {strides = array<i32>} : memref<624xf32, #tpu.memory_space<vmem>>, vector<16xf32>,
    %get3A_98 = arith.constant 544 : index
    %get3A_99 = tpu.vector_load %arg13[%get3A_98] {strides = array<i32>} : memref<624xf32, #tpu.memory_space<vmem>>, vector<16xf32>,
    %get3A_100 = arith.constant 560 : index
    %get3A_101 = tpu.vector_load %arg13[%get3A_100] {strides = array<i32>} : memref<624xf32, #tpu.memory_space<vmem>>, vector<16xf32>,
    %get3A_102 = arith.constant 576 : index
    %get3A_103 = tpu.vector_load %arg13[%get3A_102] {strides = array<i32>} : memref<624xf32, #tpu.memory_space<vmem>>, vector<16xf32>,
    %get3A_104 = arith.constant 592 : index
    %get3A_105 = tpu.vector_load %arg13[%get3A_104] {strides = array<i32>} : memref<624xf32, #tpu.memory_space<vmem>>, vector<16xf32>,
    %get3A_106 = arith.constant 608 : index
    %get3A_107 = tpu.vector_load %arg13[%get3A_106] {strides = array<i32>} : memref<624xf32, #tpu.memory_space<vmem>>, vector<16xf32>,
    %iota3A = tpu.iota {dimensions = array<i32: 0>} : vector<16xi32>
    %parallel_loop3A = arith.constant 0 : i32
    %parallel_loop3A_108 = arith.constant 15 : i32
    %parallel_loop3A_109 = arith.constant 1 : i32
    scf.for %parallel_loop3A_129 = %parallel_loop3A to %parallel_loop3A_108 step %parallel_loop3A_109  : i32 {
      %parallel_loop3A_130 = arith.constant 16 : i32
      %parallel_loop3A_131 = arith.muli %parallel_loop3A_129, %parallel_loop3A_130 : i32
      %parallel_loop3A_132 = arith.index_cast %parallel_loop3A_131 : i32 to index
      %parallel_loop3A_133 = tpu.vector_load %arg10[%parallel_loop3A_132] {strides = array<i32>} : memref<240xf32, #tpu.memory_space<vmem>>, vector<16xf32>,
      %parallel_loop3A_134 = arith.index_cast %parallel_loop3A_131 : i32 to index
      %parallel_loop3A_135 = tpu.vector_load %arg11[%parallel_loop3A_134] {strides = array<i32>} : memref<240xf32, #tpu.memory_space<vmem>>, vector<16xf32>,
      %parallel_loop3A_136 = arith.index_cast %parallel_loop3A_131 : i32 to index
      %parallel_loop3A_137 = tpu.vector_load %arg12[%parallel_loop3A_136] {strides = array<i32>} : memref<240xf32, #tpu.memory_space<vmem>>, vector<16xf32>,
      %parallel_loop3A_138 = arith.mulf %parallel_loop3A_133, %get3A_31 : vector<16xf32>
      %parallel_loop3A_139 = arith.addf %get3A_103, %parallel_loop3A_138 : vector<16xf32>
      %parallel_loop3A_140 = arith.mulf %parallel_loop3A_135, %get3A_33 : vector<16xf32>
      %parallel_loop3A_141 = arith.addf %parallel_loop3A_139, %parallel_loop3A_140 : vector<16xf32>
      %parallel_loop3A_142 = arith.mulf %parallel_loop3A_137, %get3A_35 : vector<16xf32>
      %parallel_loop3A_143 = arith.addf %parallel_loop3A_141, %parallel_loop3A_142 : vector<16xf32>
      %parallel_loop3A_144 = arith.index_cast %parallel_loop3A_131 : i32 to index
      %parallel_loop3A_145 = tpu.vector_load %arg14[%parallel_loop3A_144] {strides = array<i32>} : memref<240xf32, #tpu.memory_space<vmem>>, vector<16xf32>,
      tpu.vector_store %arg14[%parallel_loop3A_144], %parallel_loop3A_143 {strides = array<i32>} : memref<240xf32, #tpu.memory_space<vmem>>, vector<16xf32>,
      %parallel_loop3A_146 = arith.mulf %parallel_loop3A_133, %get3A_55 : vector<16xf32>
      %parallel_loop3A_147 = arith.addf %get3A_105, %parallel_loop3A_146 : vector<16xf32>
      %parallel_loop3A_148 = arith.mulf %parallel_loop3A_135, %get3A_57 : vector<16xf32>
      %parallel_loop3A_149 = arith.addf %parallel_loop3A_147, %parallel_loop3A_148 : vector<16xf32>
      %parallel_loop3A_150 = arith.mulf %parallel_loop3A_137, %get3A_59 : vector<16xf32>
      %parallel_loop3A_151 = arith.addf %parallel_loop3A_149, %parallel_loop3A_150 : vector<16xf32>
      %parallel_loop3A_152 = arith.index_cast %parallel_loop3A_131 : i32 to index
      %parallel_loop3A_153 = tpu.vector_load %arg15[%parallel_loop3A_152] {strides = array<i32>} : memref<240xf32, #tpu.memory_space<vmem>>, vector<16xf32>,
      tpu.vector_store %arg15[%parallel_loop3A_152], %parallel_loop3A_151 {strides = array<i32>} : memref<240xf32, #tpu.memory_space<vmem>>, vector<16xf32>,
      %parallel_loop3A_154 = arith.mulf %parallel_loop3A_133, %get3A_79 : vector<16xf32>
      %parallel_loop3A_155 = arith.addf %get3A_107, %parallel_loop3A_154 : vector<16xf32>
      %parallel_loop3A_156 = arith.mulf %parallel_loop3A_135, %get3A_81 : vector<16xf32>
      %parallel_loop3A_157 = arith.addf %parallel_loop3A_155, %parallel_loop3A_156 : vector<16xf32>
      %parallel_loop3A_158 = arith.mulf %parallel_loop3A_137, %get3A_83 : vector<16xf32>
      %parallel_loop3A_159 = arith.addf %parallel_loop3A_157, %parallel_loop3A_158 : vector<16xf32>
      %parallel_loop3A_160 = arith.index_cast %parallel_loop3A_131 : i32 to index
      %parallel_loop3A_161 = tpu.vector_load %arg16[%parallel_loop3A_160] {strides = array<i32>} : memref<240xf32, #tpu.memory_space<vmem>>, vector<16xf32>,
      tpu.vector_store %arg16[%parallel_loop3A_160], %parallel_loop3A_159 {strides = array<i32>} : memref<240xf32, #tpu.memory_space<vmem>>, vector<16xf32>,
      %parallel_loop3A_162 = arith.mulf %parallel_loop3A_133, %get3A_37 : vector<16xf32>
      %parallel_loop3A_163 = arith.mulf %parallel_loop3A_135, %get3A_39 : vector<16xf32>
      %parallel_loop3A_164 = arith.addf %parallel_loop3A_162, %parallel_loop3A_163 : vector<16xf32>
      %parallel_loop3A_165 = arith.mulf %parallel_loop3A_137, %get3A_41 : vector<16xf32>
      %parallel_loop3A_166 = arith.addf %parallel_loop3A_164, %parallel_loop3A_165 : vector<16xf32>
      %parallel_loop3A_167 = arith.index_cast %parallel_loop3A_131 : i32 to index
      %parallel_loop3A_168 = tpu.vector_load %arg17[%parallel_loop3A_167] {strides = array<i32>} : memref<240xf32, #tpu.memory_space<vmem>>, vector<16xf32>,
      tpu.vector_store %arg17[%parallel_loop3A_167], %parallel_loop3A_166 {strides = array<i32>} : memref<240xf32, #tpu.memory_space<vmem>>, vector<16xf32>,
      %parallel_loop3A_169 = arith.mulf %parallel_loop3A_133, %get3A_61 : vector<16xf32>
      %parallel_loop3A_170 = arith.mulf %parallel_loop3A_135, %get3A_63 : vector<16xf32>
      %parallel_loop3A_171 = arith.addf %parallel_loop3A_169, %parallel_loop3A_170 : vector<16xf32>
      %parallel_loop3A_172 = arith.mulf %parallel_loop3A_137, %get3A_65 : vector<16xf32>
      %parallel_loop3A_173 = arith.addf %parallel_loop3A_171, %parallel_loop3A_172 : vector<16xf32>
      %parallel_loop3A_174 = arith.index_cast %parallel_loop3A_131 : i32 to index
      %parallel_loop3A_175 = tpu.vector_load %arg18[%parallel_loop3A_174] {strides = array<i32>} : memref<240xf32, #tpu.memory_space<vmem>>, vector<16xf32>,
      tpu.vector_store %arg18[%parallel_loop3A_174], %parallel_loop3A_173 {strides = array<i32>} : memref<240xf32, #tpu.memory_space<vmem>>, vector<16xf32>,
      %parallel_loop3A_176 = arith.mulf %parallel_loop3A_133, %get3A_85 : vector<16xf32>
      %parallel_loop3A_177 = arith.mulf %parallel_loop3A_135, %get3A_87 : vector<16xf32>
      %parallel_loop3A_178 = arith.addf %parallel_loop3A_176, %parallel_loop3A_177 : vector<16xf32>
      %parallel_loop3A_179 = arith.mulf %parallel_loop3A_137, %get3A_89 : vector<16xf32>
      %parallel_loop3A_180 = arith.addf %parallel_loop3A_178, %parallel_loop3A_179 : vector<16xf32>
      %parallel_loop3A_181 = arith.index_cast %parallel_loop3A_131 : i32 to index
      %parallel_loop3A_182 = tpu.vector_load %arg19[%parallel_loop3A_181] {strides = array<i32>} : memref<240xf32, #tpu.memory_space<vmem>>, vector<16xf32>,
      tpu.vector_store %arg19[%parallel_loop3A_181], %parallel_loop3A_180 {strides = array<i32>} : memref<240xf32, #tpu.memory_space<vmem>>, vector<16xf32>,
      %parallel_loop3A_183 = arith.mulf %parallel_loop3A_133, %get3A_43 : vector<16xf32>
      %parallel_loop3A_184 = arith.mulf %parallel_loop3A_135, %get3A_45 : vector<16xf32>
      %parallel_loop3A_185 = arith.addf %parallel_loop3A_183, %parallel_loop3A_184 : vector<16xf32>
      %parallel_loop3A_186 = arith.mulf %parallel_loop3A_137, %get3A_47 : vector<16xf32>
      %parallel_loop3A_187 = arith.addf %parallel_loop3A_185, %parallel_loop3A_186 : vector<16xf32>
      %parallel_loop3A_188 = arith.index_cast %parallel_loop3A_131 : i32 to index
      %parallel_loop3A_189 = tpu.vector_load %arg20[%parallel_loop3A_188] {strides = array<i32>} : memref<240xf32, #tpu.memory_space<vmem>>, vector<16xf32>,
      tpu.vector_store %arg20[%parallel_loop3A_188], %parallel_loop3A_187 {strides = array<i32>} : memref<240xf32, #tpu.memory_space<vmem>>, vector<16xf32>,
      %parallel_loop3A_190 = arith.mulf %parallel_loop3A_133, %get3A_67 : vector<16xf32>
      %parallel_loop3A_191 = arith.mulf %parallel_loop3A_135, %get3A_69 : vector<16xf32>
      %parallel_loop3A_192 = arith.addf %parallel_loop3A_190, %parallel_loop3A_191 : vector<16xf32>
      %parallel_loop3A_193 = arith.mulf %parallel_loop3A_137, %get3A_71 : vector<16xf32>
      %parallel_loop3A_194 = arith.addf %parallel_loop3A_192, %parallel_loop3A_193 : vector<16xf32>
      %parallel_loop3A_195 = arith.index_cast %parallel_loop3A_131 : i32 to index
      %parallel_loop3A_196 = tpu.vector_load %arg21[%parallel_loop3A_195] {strides = array<i32>} : memref<240xf32, #tpu.memory_space<vmem>>, vector<16xf32>,
      tpu.vector_store %arg21[%parallel_loop3A_195], %parallel_loop3A_194 {strides = array<i32>} : memref<240xf32, #tpu.memory_space<vmem>>, vector<16xf32>,
      %parallel_loop3A_197 = arith.mulf %parallel_loop3A_133, %get3A_91 : vector<16xf32>
      %parallel_loop3A_198 = arith.mulf %parallel_loop3A_135, %get3A_93 : vector<16xf32>
      %parallel_loop3A_199 = arith.addf %parallel_loop3A_197, %parallel_loop3A_198 : vector<16xf32>
      %parallel_loop3A_200 = arith.mulf %parallel_loop3A_137, %get3A_95 : vector<16xf32>
      %parallel_loop3A_201 = arith.addf %parallel_loop3A_199, %parallel_loop3A_200 : vector<16xf32>
      %parallel_loop3A_202 = arith.index_cast %parallel_loop3A_131 : i32 to index
      %parallel_loop3A_203 = tpu.vector_load %arg22[%parallel_loop3A_202] {strides = array<i32>} : memref<240xf32, #tpu.memory_space<vmem>>, vector<16xf32>,
      tpu.vector_store %arg22[%parallel_loop3A_202], %parallel_loop3A_201 {strides = array<i32>} : memref<240xf32, #tpu.memory_space<vmem>>, vector<16xf32>,
      %parallel_loop3A_204 = arith.mulf %parallel_loop3A_133, %get3A_49 : vector<16xf32>
      %parallel_loop3A_205 = arith.mulf %parallel_loop3A_135, %get3A_51 : vector<16xf32>
      %parallel_loop3A_206 = arith.addf %parallel_loop3A_204, %parallel_loop3A_205 : vector<16xf32>
      %parallel_loop3A_207 = arith.mulf %parallel_loop3A_137, %get3A_53 : vector<16xf32>
      %parallel_loop3A_208 = arith.addf %parallel_loop3A_206, %parallel_loop3A_207 : vector<16xf32>
      %parallel_loop3A_209 = arith.index_cast %parallel_loop3A_131 : i32 to index
      %parallel_loop3A_210 = tpu.vector_load %arg23[%parallel_loop3A_209] {strides = array<i32>} : memref<240xf32, #tpu.memory_space<vmem>>, vector<16xf32>,
      tpu.vector_store %arg23[%parallel_loop3A_209], %parallel_loop3A_208 {strides = array<i32>} : memref<240xf32, #tpu.memory_space<vmem>>, vector<16xf32>,
      %parallel_loop3A_211 = arith.mulf %parallel_loop3A_133, %get3A_73 : vector<16xf32>
      %parallel_loop3A_212 = arith.mulf %parallel_loop3A_135, %get3A_75 : vector<16xf32>
      %parallel_loop3A_213 = arith.addf %parallel_loop3A_211, %parallel_loop3A_212 : vector<16xf32>
      %parallel_loop3A_214 = arith.mulf %parallel_loop3A_137, %get3A_77 : vector<16xf32>
      %parallel_loop3A_215 = arith.addf %parallel_loop3A_213, %parallel_loop3A_214 : vector<16xf32>
      %parallel_loop3A_216 = arith.index_cast %parallel_loop3A_131 : i32 to index
      %parallel_loop3A_217 = tpu.vector_load %arg24[%parallel_loop3A_216] {strides = array<i32>} : memref<240xf32, #tpu.memory_space<vmem>>, vector<16xf32>,
      tpu.vector_store %arg24[%parallel_loop3A_216], %parallel_loop3A_215 {strides = array<i32>} : memref<240xf32, #tpu.memory_space<vmem>>, vector<16xf32>,
      %parallel_loop3A_218 = arith.mulf %parallel_loop3A_133, %get3A_97 : vector<16xf32>
      %parallel_loop3A_219 = arith.mulf %parallel_loop3A_135, %get3A_99 : vector<16xf32>
      %parallel_loop3A_220 = arith.addf %parallel_loop3A_218, %parallel_loop3A_219 : vector<16xf32>
      %parallel_loop3A_221 = arith.mulf %parallel_loop3A_137, %get3A_101 : vector<16xf32>
      %parallel_loop3A_222 = arith.addf %parallel_loop3A_220, %parallel_loop3A_221 : vector<16xf32>
      %parallel_loop3A_223 = arith.index_cast %parallel_loop3A_131 : i32 to index
      %parallel_loop3A_224 = tpu.vector_load %arg25[%parallel_loop3A_223] {strides = array<i32>} : memref<240xf32, #tpu.memory_space<vmem>>, vector<16xf32>,
      tpu.vector_store %arg25[%parallel_loop3A_223], %parallel_loop3A_222 {strides = array<i32>} : memref<240xf32, #tpu.memory_space<vmem>>, vector<16xf32>,
    } {sc.loop_unroll_factor = 2 : i64, sc.parallel_access}
    %dma_wait3A_110 = tpu.memref_slice %arg2[%mul3A_4] : memref<65536xi32, #tpu.memory_space<hbm>> -> memref<2048xi32, #tpu.memory_space<hbm>>
    %dma_wait3A_111 = tpu.memref_slice %arg2[%mul3A_4] : memref<65536xi32, #tpu.memory_space<hbm>> -> memref<2048xi32, #tpu.memory_space<hbm>>
    tpu.wait_dma2 semaphore(%arg28 : memref<!tpu.dma_semaphore, #tpu.memory_space<semaphore_mem>>) src(%dma_wait3A_111 : memref<2048xi32, #tpu.memory_space<hbm>>) dst(%arg8 : memref<2048xi32, #tpu.memory_space<vmem>>)
    %dma_wait3A_112 = tpu.memref_slice %arg3[%mul3A_2] : memref<16384xi32, #tpu.memory_space<hbm>> -> memref<512xi32, #tpu.memory_space<hbm>>
    %dma_wait3A_113 = tpu.memref_slice %arg3[%mul3A_2] : memref<16384xi32, #tpu.memory_space<hbm>> -> memref<512xi32, #tpu.memory_space<hbm>>
    tpu.wait_dma2 semaphore(%arg29 : memref<!tpu.dma_semaphore, #tpu.memory_space<semaphore_mem>>) src(%dma_wait3A_113 : memref<512xi32, #tpu.memory_space<hbm>>) dst(%arg9 : memref<512xi32, #tpu.memory_space<vmem>>)
    %parallel_loop3A_114 = arith.constant 0 : i32
    %parallel_loop3A_115 = arith.constant 32 : i32
    %parallel_loop3A_116 = arith.constant 1 : i32
    scf.for %parallel_loop3A_129 = %parallel_loop3A_114 to %parallel_loop3A_115 step %parallel_loop3A_116  : i32 {
      %parallel_loop3A_130 = arith.constant 16 : i32
      %parallel_loop3A_131 = arith.muli %parallel_loop3A_129, %parallel_loop3A_130 : i32
      %parallel_loop3A_132 = arith.constant 128 : i32
      %parallel_loop3A_133 = arith.divsi %parallel_loop3A_131, %parallel_loop3A_132 : i32
      %parallel_loop3A_134 = arith.constant 0 : i32
      %parallel_loop3A_135 = arith.cmpi sgt, %parallel_loop3A_131, %parallel_loop3A_134 : i32
      %parallel_loop3A_136 = arith.extui %parallel_loop3A_135 : i1 to i32
      %parallel_loop3A_137 = arith.constant 0 : i32
      %parallel_loop3A_138 = arith.cmpi slt, %parallel_loop3A_131, %parallel_loop3A_137 : i32
      %parallel_loop3A_139 = arith.extui %parallel_loop3A_138 : i1 to i32
      %parallel_loop3A_140 = arith.subi %parallel_loop3A_136, %parallel_loop3A_139 : i32
      %parallel_loop3A_141 = arith.constant 0 : i32
      %parallel_loop3A_142 = arith.cmpi sgt, %parallel_loop3A_132, %parallel_loop3A_141 : i32
      %parallel_loop3A_143 = arith.extui %parallel_loop3A_142 : i1 to i32
      %parallel_loop3A_144 = arith.constant 0 : i32
      %parallel_loop3A_145 = arith.cmpi slt, %parallel_loop3A_132, %parallel_loop3A_144 : i32
      %parallel_loop3A_146 = arith.extui %parallel_loop3A_145 : i1 to i32
      %parallel_loop3A_147 = arith.subi %parallel_loop3A_143, %parallel_loop3A_146 : i32
      %parallel_loop3A_148 = arith.cmpi ne, %parallel_loop3A_140, %parallel_loop3A_147 : i32
      %parallel_loop3A_149 = arith.remsi %parallel_loop3A_131, %parallel_loop3A_132 : i32
      %parallel_loop3A_150 = arith.constant 0 : i32
      %parallel_loop3A_151 = arith.cmpi ne, %parallel_loop3A_149, %parallel_loop3A_150 : i32
      %parallel_loop3A_152 = arith.andi %parallel_loop3A_148, %parallel_loop3A_151 : i1
      %parallel_loop3A_153 = arith.constant 1 : i32
      %parallel_loop3A_154 = arith.subi %parallel_loop3A_133, %parallel_loop3A_153 : i32
      %parallel_loop3A_155 = arith.select %parallel_loop3A_152, %parallel_loop3A_154, %parallel_loop3A_133 : i32
      %parallel_loop3A_156 = arith.constant 512 : i32
      %parallel_loop3A_157 = arith.muli %parallel_loop3A_155, %parallel_loop3A_156 : i32
      %parallel_loop3A_158 = arith.constant 128 : i32
      %parallel_loop3A_159 = arith.constant 0 : i32
      %parallel_loop3A_160 = arith.cmpi eq, %parallel_loop3A_158, %parallel_loop3A_159 : i32
      %parallel_loop3A_161 = arith.constant 1 : i32
      %parallel_loop3A_162 = arith.select %parallel_loop3A_160, %parallel_loop3A_161, %parallel_loop3A_158 : i32
      %parallel_loop3A_163 = arith.remsi %parallel_loop3A_131, %parallel_loop3A_162 : i32
      %parallel_loop3A_164 = arith.constant 0 : i32
      %parallel_loop3A_165 = arith.cmpi ne, %parallel_loop3A_163, %parallel_loop3A_164 : i32
      %parallel_loop3A_166 = arith.constant 0 : i32
      %parallel_loop3A_167 = arith.cmpi slt, %parallel_loop3A_163, %parallel_loop3A_166 : i32
      %parallel_loop3A_168 = arith.constant 0 : i32
      %parallel_loop3A_169 = arith.cmpi slt, %parallel_loop3A_162, %parallel_loop3A_168 : i32
      %parallel_loop3A_170 = arith.xori %parallel_loop3A_167, %parallel_loop3A_169 : i1
      %parallel_loop3A_171 = arith.andi %parallel_loop3A_170, %parallel_loop3A_165 : i1
      %parallel_loop3A_172 = arith.addi %parallel_loop3A_163, %parallel_loop3A_162 : i32
      %parallel_loop3A_173 = arith.select %parallel_loop3A_171, %parallel_loop3A_172, %parallel_loop3A_163 : i32
      %parallel_loop3A_174 = arith.addi %parallel_loop3A_157, %parallel_loop3A_173 : i32
      %parallel_loop3A_175 = arith.index_cast %parallel_loop3A_131 : i32 to index
      %parallel_loop3A_176 = tpu.vector_load %arg9[%parallel_loop3A_175] {strides = array<i32>} : memref<512xi32, #tpu.memory_space<vmem>>, vector<16xi32>,
      %parallel_loop3A_177 = tpu.vector_load_idx %arg10[%parallel_loop3A_176] : memref<240xf32, #tpu.memory_space<vmem>>[vector<16xi32>], vector<16xf32>,
      %parallel_loop3A_178 = arith.constant 0 : i32
      %parallel_loop3A_179 = arith.addi %parallel_loop3A_174, %parallel_loop3A_178 : i32
      %parallel_loop3A_180 = arith.index_cast %parallel_loop3A_179 : i32 to index
      %parallel_loop3A_181 = tpu.vector_load %arg27[%parallel_loop3A_180] {strides = array<i32>} : memref<2048xf32, #tpu.memory_space<vmem>>, vector<16xf32>,
      tpu.vector_store %arg27[%parallel_loop3A_180], %parallel_loop3A_177 {strides = array<i32>} : memref<2048xf32, #tpu.memory_space<vmem>>, vector<16xf32>,
      %parallel_loop3A_182 = tpu.vector_load_idx %arg11[%parallel_loop3A_176] : memref<240xf32, #tpu.memory_space<vmem>>[vector<16xi32>], vector<16xf32>,
      %parallel_loop3A_183 = arith.constant 128 : i32
      %parallel_loop3A_184 = arith.addi %parallel_loop3A_174, %parallel_loop3A_183 : i32
      %parallel_loop3A_185 = arith.index_cast %parallel_loop3A_184 : i32 to index
      %parallel_loop3A_186 = tpu.vector_load %arg27[%parallel_loop3A_185] {strides = array<i32>} : memref<2048xf32, #tpu.memory_space<vmem>>, vector<16xf32>,
      tpu.vector_store %arg27[%parallel_loop3A_185], %parallel_loop3A_182 {strides = array<i32>} : memref<2048xf32, #tpu.memory_space<vmem>>, vector<16xf32>,
      %parallel_loop3A_187 = tpu.vector_load_idx %arg12[%parallel_loop3A_176] : memref<240xf32, #tpu.memory_space<vmem>>[vector<16xi32>], vector<16xf32>,
      %parallel_loop3A_188 = arith.constant 256 : i32
      %parallel_loop3A_189 = arith.addi %parallel_loop3A_174, %parallel_loop3A_188 : i32
      %parallel_loop3A_190 = arith.index_cast %parallel_loop3A_189 : i32 to index
      %parallel_loop3A_191 = tpu.vector_load %arg27[%parallel_loop3A_190] {strides = array<i32>} : memref<2048xf32, #tpu.memory_space<vmem>>, vector<16xf32>,
      tpu.vector_store %arg27[%parallel_loop3A_190], %parallel_loop3A_187 {strides = array<i32>} : memref<2048xf32, #tpu.memory_space<vmem>>, vector<16xf32>,
      %parallel_loop3A_192 = vector.broadcast %parallel_loop3A_174 : i32 to vector<16xi32>
      %parallel_loop3A_193 = arith.addi %parallel_loop3A_192, %iota3A : vector<16xi32>
      %parallel_loop3A_194 = arith.constant 0 : i32
      %parallel_loop3A_195 = vector.broadcast %parallel_loop3A_194 : i32 to vector<16xi32>
      %parallel_loop3A_196 = arith.addi %parallel_loop3A_193, %parallel_loop3A_195 : vector<16xi32>
      %parallel_loop3A_197 = tpu.vector_load_idx %arg8[%parallel_loop3A_196] : memref<2048xi32, #tpu.memory_space<vmem>>[vector<16xi32>], vector<16xi32>,
      %parallel_loop3A_198 = arith.constant 128 : i32
      %parallel_loop3A_199 = vector.broadcast %parallel_loop3A_198 : i32 to vector<16xi32>
      %parallel_loop3A_200 = arith.addi %parallel_loop3A_193, %parallel_loop3A_199 : vector<16xi32>
      %parallel_loop3A_201 = tpu.vector_load_idx %arg8[%parallel_loop3A_200] : memref<2048xi32, #tpu.memory_space<vmem>>[vector<16xi32>], vector<16xi32>,
      %parallel_loop3A_202 = arith.constant 256 : i32
      %parallel_loop3A_203 = vector.broadcast %parallel_loop3A_202 : i32 to vector<16xi32>
      %parallel_loop3A_204 = arith.addi %parallel_loop3A_193, %parallel_loop3A_203 : vector<16xi32>
      %parallel_loop3A_205 = tpu.vector_load_idx %arg8[%parallel_loop3A_204] : memref<2048xi32, #tpu.memory_space<vmem>>[vector<16xi32>], vector<16xi32>,
      %parallel_loop3A_206 = arith.constant 384 : i32
      %parallel_loop3A_207 = vector.broadcast %parallel_loop3A_206 : i32 to vector<16xi32>
      %parallel_loop3A_208 = arith.addi %parallel_loop3A_193, %parallel_loop3A_207 : vector<16xi32>
      %parallel_loop3A_209 = tpu.vector_load_idx %arg8[%parallel_loop3A_208] : memref<2048xi32, #tpu.memory_space<vmem>>[vector<16xi32>], vector<16xi32>,
      %parallel_loop3A_210 = tpu.vector_load_idx %arg14[%parallel_loop3A_197] : memref<240xf32, #tpu.memory_space<vmem>>[vector<16xi32>], vector<16xf32>,
      %parallel_loop3A_211 = tpu.vector_load_idx %arg17[%parallel_loop3A_201] : memref<240xf32, #tpu.memory_space<vmem>>[vector<16xi32>], vector<16xf32>,
      %parallel_loop3A_212 = tpu.vector_load_idx %arg20[%parallel_loop3A_205] : memref<240xf32, #tpu.memory_space<vmem>>[vector<16xi32>], vector<16xf32>,
      %parallel_loop3A_213 = tpu.vector_load_idx %arg23[%parallel_loop3A_209] : memref<240xf32, #tpu.memory_space<vmem>>[vector<16xi32>], vector<16xf32>,
      %parallel_loop3A_214 = arith.addf %parallel_loop3A_210, %parallel_loop3A_211 : vector<16xf32>
      %parallel_loop3A_215 = arith.addf %parallel_loop3A_212, %parallel_loop3A_213 : vector<16xf32>
      %parallel_loop3A_216 = arith.addf %parallel_loop3A_214, %parallel_loop3A_215 : vector<16xf32>
      %parallel_loop3A_217 = arith.constant 0 : i32
      %parallel_loop3A_218 = arith.addi %parallel_loop3A_174, %parallel_loop3A_217 : i32
      %parallel_loop3A_219 = arith.index_cast %parallel_loop3A_218 : i32 to index
      %parallel_loop3A_220 = tpu.vector_load %arg26[%parallel_loop3A_219] {strides = array<i32>} : memref<2048xf32, #tpu.memory_space<vmem>>, vector<16xf32>,
      tpu.vector_store %arg26[%parallel_loop3A_219], %parallel_loop3A_216 {strides = array<i32>} : memref<2048xf32, #tpu.memory_space<vmem>>, vector<16xf32>,
      %parallel_loop3A_221 = tpu.vector_load_idx %arg15[%parallel_loop3A_197] : memref<240xf32, #tpu.memory_space<vmem>>[vector<16xi32>], vector<16xf32>,
      %parallel_loop3A_222 = tpu.vector_load_idx %arg18[%parallel_loop3A_201] : memref<240xf32, #tpu.memory_space<vmem>>[vector<16xi32>], vector<16xf32>,
      %parallel_loop3A_223 = tpu.vector_load_idx %arg21[%parallel_loop3A_205] : memref<240xf32, #tpu.memory_space<vmem>>[vector<16xi32>], vector<16xf32>,
      %parallel_loop3A_224 = tpu.vector_load_idx %arg24[%parallel_loop3A_209] : memref<240xf32, #tpu.memory_space<vmem>>[vector<16xi32>], vector<16xf32>,
      %parallel_loop3A_225 = arith.addf %parallel_loop3A_221, %parallel_loop3A_222 : vector<16xf32>
      %parallel_loop3A_226 = arith.addf %parallel_loop3A_223, %parallel_loop3A_224 : vector<16xf32>
      %parallel_loop3A_227 = arith.addf %parallel_loop3A_225, %parallel_loop3A_226 : vector<16xf32>
      %parallel_loop3A_228 = arith.constant 128 : i32
      %parallel_loop3A_229 = arith.addi %parallel_loop3A_174, %parallel_loop3A_228 : i32
      %parallel_loop3A_230 = arith.index_cast %parallel_loop3A_229 : i32 to index
      %parallel_loop3A_231 = tpu.vector_load %arg26[%parallel_loop3A_230] {strides = array<i32>} : memref<2048xf32, #tpu.memory_space<vmem>>, vector<16xf32>,
      tpu.vector_store %arg26[%parallel_loop3A_230], %parallel_loop3A_227 {strides = array<i32>} : memref<2048xf32, #tpu.memory_space<vmem>>, vector<16xf32>,
      %parallel_loop3A_232 = tpu.vector_load_idx %arg16[%parallel_loop3A_197] : memref<240xf32, #tpu.memory_space<vmem>>[vector<16xi32>], vector<16xf32>,
      %parallel_loop3A_233 = tpu.vector_load_idx %arg19[%parallel_loop3A_201] : memref<240xf32, #tpu.memory_space<vmem>>[vector<16xi32>], vector<16xf32>,
      %parallel_loop3A_234 = tpu.vector_load_idx %arg22[%parallel_loop3A_205] : memref<240xf32, #tpu.memory_space<vmem>>[vector<16xi32>], vector<16xf32>,
      %parallel_loop3A_235 = tpu.vector_load_idx %arg25[%parallel_loop3A_209] : memref<240xf32, #tpu.memory_space<vmem>>[vector<16xi32>], vector<16xf32>,
      %parallel_loop3A_236 = arith.addf %parallel_loop3A_232, %parallel_loop3A_233 : vector<16xf32>
      %parallel_loop3A_237 = arith.addf %parallel_loop3A_234, %parallel_loop3A_235 : vector<16xf32>
      %parallel_loop3A_238 = arith.addf %parallel_loop3A_236, %parallel_loop3A_237 : vector<16xf32>
      %parallel_loop3A_239 = arith.constant 256 : i32
      %parallel_loop3A_240 = arith.addi %parallel_loop3A_174, %parallel_loop3A_239 : i32
      %parallel_loop3A_241 = arith.index_cast %parallel_loop3A_240 : i32 to index
      %parallel_loop3A_242 = tpu.vector_load %arg26[%parallel_loop3A_241] {strides = array<i32>} : memref<2048xf32, #tpu.memory_space<vmem>>, vector<16xf32>,
      tpu.vector_store %arg26[%parallel_loop3A_241], %parallel_loop3A_238 {strides = array<i32>} : memref<2048xf32, #tpu.memory_space<vmem>>, vector<16xf32>,
    } {sc.loop_unroll_factor = 4 : i64, sc.parallel_access}
    %mul3A_117 = arith.constant 4 : i32
    %mul3A_118 = arith.muli %mul3A_2, %mul3A_117 : i32
    %dma_start3A_119 = tpu.memref_slice %arg6[%mul3A_118] : memref<65536xf32, #tpu.memory_space<hbm>> -> memref<2048xf32, #tpu.memory_space<hbm>>
    %dma_start3A_120 = tpu.memref_slice %arg6[%mul3A_118] : memref<65536xf32, #tpu.memory_space<hbm>> -> memref<2048xf32, #tpu.memory_space<hbm>>
    tpu.enqueue_dma source(%arg26 : memref<2048xf32, #tpu.memory_space<vmem>>) target(%dma_start3A_120 : memref<2048xf32, #tpu.memory_space<hbm>>) target_semaphore(%arg34 : memref<!tpu.dma_semaphore, #tpu.memory_space<semaphore_mem>>)
    %mul3A_121 = arith.constant 4 : i32
    %mul3A_122 = arith.muli %mul3A_2, %mul3A_121 : i32
    %dma_start3A_123 = tpu.memref_slice %arg7[%mul3A_122] : memref<65536xf32, #tpu.memory_space<hbm>> -> memref<2048xf32, #tpu.memory_space<hbm>>
    %dma_start3A_124 = tpu.memref_slice %arg7[%mul3A_122] : memref<65536xf32, #tpu.memory_space<hbm>> -> memref<2048xf32, #tpu.memory_space<hbm>>
    tpu.enqueue_dma source(%arg27 : memref<2048xf32, #tpu.memory_space<vmem>>) target(%dma_start3A_124 : memref<2048xf32, #tpu.memory_space<hbm>>) target_semaphore(%arg35 : memref<!tpu.dma_semaphore, #tpu.memory_space<semaphore_mem>>)
    %dma_wait3A_125 = tpu.memref_slice %arg6[%mul3A_118] : memref<65536xf32, #tpu.memory_space<hbm>> -> memref<2048xf32, #tpu.memory_space<hbm>>
    %dma_wait3A_126 = tpu.memref_slice %arg6[%mul3A_118] : memref<65536xf32, #tpu.memory_space<hbm>> -> memref<2048xf32, #tpu.memory_space<hbm>>
    tpu.wait_dma2 semaphore(%arg34 : memref<!tpu.dma_semaphore, #tpu.memory_space<semaphore_mem>>) src(%arg26 : memref<2048xf32, #tpu.memory_space<vmem>>) dst(%dma_wait3A_126 : memref<2048xf32, #tpu.memory_space<hbm>>)
    %dma_wait3A_127 = tpu.memref_slice %arg7[%mul3A_122] : memref<65536xf32, #tpu.memory_space<hbm>> -> memref<2048xf32, #tpu.memory_space<hbm>>
    %dma_wait3A_128 = tpu.memref_slice %arg7[%mul3A_122] : memref<65536xf32, #tpu.memory_space<hbm>> -> memref<2048xf32, #tpu.memory_space<hbm>>
    tpu.wait_dma2 semaphore(%arg35 : memref<!tpu.dma_semaphore, #tpu.memory_space<semaphore_mem>>) src(%arg27 : memref<2048xf32, #tpu.memory_space<vmem>>) dst(%dma_wait3A_128 : memref<2048xf32, #tpu.memory_space<hbm>>)
    return
  }
}

</mosaic_0001>

<sc_bundles>
// kernel: kernel.3.cloned.1.call-start
scs
__scs_entry_jumppad:
0x0: {  	(pc) =	sbr.rel $0x88, $3  }
0x1: {  	(tag) =	ssettag $0x0;
	lr =	simm.s32 $0x1  }
0x2: {  	[smem:$0x3F9C] =	sst lr;
	_ =	strace $0xD0000000  }
0x3: {  	_ = 	snop  }
0x4: {  	_ = 	snop  }
0x5: {  	_ = 	snop  }
0x6: {  	_ = 	snop  }
0x7: {  	_ = 	snop  }
__scs_overlays_trampoline_lowered:
0x8: {  	[smem:$0x3FAB] =	sst s0  }
0x9: {  	[smem:$0x3FAC] =	sst s1  }
0xa: {  	[smem:$0x3FAD] =	sst s2  }
0xb: {  	[smem:$0x3FAE] =	sst s3  }
0xc: {  	[smem:$0x3FAF] =	sst s4  }
0xd: {  	[smem:$0x3FB0] =	sst s5  }
0xe: {  	[smem:$0x3FB1] =	sst s6  }
0xf: {  	[smem:$0x3FB2] =	sst s7  }
0x10: {  	[smem:$0x3FB3] =	sst s8  }
0x11: {  	[smem:$0x3FB4] =	sst s9;
	s0 =	simm.s32 @!p0 $0x0  }
0x12: {  	s1 =	sld [smem:$0x3F9A];
	s0 =	simm.s32 @p0 $0x1  }
0x13: {  	[smem:$0x3FB5] =	sst s0;
	s0 =	simm.s32 @!p1 $0x0  }
0x14: {  	s2 =	sld [smem:$0x3F99];
	s0 =	simm.s32 @p1 $0x1  }
0x15: {  	[smem:$0x3FB6] =	sst s0;
	s0 =	simm.s32 @!p2 $0x0  }
0x16: {  	s3 =	sld [smem:$0x3FDB];
	s0 =	simm.s32 @p2 $0x1  }
0x17: {  	s4 =	simm.s32 $0x1BF5;
	[smem:$0x3FB8] =	sst s0  }
0x18: {  	s0 =	sld [smem:$0x3F9B];
	_ =	swait.ge [sflag:s4], $0x0  }
0x19: {  	s7 =	sld [smem:$0x3F9C]  }
0x1a: {  	s8 =	sadd.s32 $0xFFFFE003, lr  }
0x1b: {  	s9 =	sadd.s32 $0xFFFFFEF7, lr;
	s5 =	simm.s32 $0xFFFFFFFF;
	p2 =	slt.u32 s8, $0xFFFFF086  }
0x1c: {  	p1 =	slt.u32 s9, $0xF7A;
	s5 =	simm.s32 @!p2 $0x0  }
0x1d: {  	s5 =	simm.s32 @p1 $0x1;
	p0 =	seq.s32 s7, s2  }
0x1e: {  	s7 =	smul.u32 @!p0 $0xF7A, s2;
	p2 =	seq.s32 @!p0 s5, $0x0  }
0x1f: {  	s9 =	smul.u32 $0xF7A, s1;
	s8 =	simm.s32 @!p0 $0x1BF5;
	p2 =	por !p2, p0  }
0x20: {  	[sflag:s8] =	ssyncset.s32 @!p0 $0xFFFFF086;
	s6 =	sadd.s32 @!p0 s3, s7;
	s7 =	simm.s32 @!p0 $0x108  }
0x21: {  	s3 =	sadd.s32 s3, s9;
	s6 =	sadd.s32 @!p0 $0x88, s6;
	s7 =	simm.s32 @p2 $0x1082  }
0x22: {  	[simem:s7], [sflag:s8] =	dma.local @!p0 [hbm:s6], $0xF7A  }
0x23: {  	s9 =	sor.u32 $0xD0000000, s2;
	s6 =	simm.s32 $0x108;
	_ =	swait.ge @!p0 [sflag:s8], $0x0  }
0x24: {  	s3 =	sadd.s32 $0x88, s3;
	s6 =	simm.s32 @!p1 $0x1082;
	[sflag:s4] =	ssyncset.s32 $0xFFFFF086  }
0x25: {  	[simem:s6], [sflag:s4] =	dma.local [hbm:s3], $0xF7A  }
0x26: {  	[smem:$0x3F9C] =	sst s1;
	(tag) =	ssettag s2;
	_ =	strace s9  }
0x27: {  	s1 =	sld [smem:$0x3FAC]  }
0x28: {  	s2 =	sld [smem:$0x3FAD]  }
0x29: {  	s4 =	sld [smem:$0x3FAF]  }
0x2a: {  	p0 =	seq.s32 s5, $0x0;
	s5 =	sld [smem:$0x3FB0]  }
0x2b: {  	s6 =	sld [smem:$0x3FB1]  }
0x2c: {  	s7 =	sld [smem:$0x3FB2]  }
0x2d: {  	s3 =	simm.s32 $0x108;
	s8 =	sld [smem:$0x3FB3]  }
0x2e: {  	s3 =	simm.s32 @!p0 $0x1082;
	s9 =	sld [smem:$0x3FB4]  }
0x2f: {  	lr =	sadd.s32 s0, s3;
	s0 =	sld [smem:$0x3FAB]  }
0x30: {  	s3 =	sld [smem:$0x3FAE]  }
0x31: {  	[smem:$0x3FB7] =	sst s10  }
0x32: {  	s10 =	sld [smem:$0x3FB5];
	_ =	sdelay $0x3  }
0x33: {  	p0 =	seq.s32 s10, $0x1;
	s10 =	sld [smem:$0x3FB7];
	_ =	sdelay $0x3  }
0x34: {  	[smem:$0x3FB7] =	sst s10  }
0x35: {  	s10 =	sld [smem:$0x3FB6];
	_ =	sdelay $0x3  }
0x36: {  	p1 =	seq.s32 s10, $0x1;
	s10 =	sld [smem:$0x3FB7];
	_ =	sdelay $0x3  }
0x37: {  	[smem:$0x3FB7] =	sst s10  }
0x38: {  	s10 =	sld [smem:$0x3FB8]  }
0x39: {  	_ = 	snop;
	(pc) =	sbr.ind lr, $3  }
0x3a: {  	_ = 	snop  }
0x3b: {  	_ = 	snop  }
0x3c: {  	p2 =	seq.s32 s10, $0x1;
	s10 =	sld [smem:$0x3FB7]  }
0x3d: {  	_ =	shalt  }
0x3e: {  	_ =	shalt  }
0x3f: {  	_ =	shalt  }
0x40: {  	_ =	shalt  }
0x41: {  	_ =	shalt  }
0x42: {  	_ =	shalt  }
0x43: {  	_ =	shalt  }
0x44: {  	_ =	shalt  }
0x45: {  	_ =	shalt  }
0x46: {  	_ =	shalt  }
0x47: {  	_ =	shalt  }
0x48: {  	_ =	shalt  }
0x49: {  	_ =	shalt  }
0x4a: {  	_ =	shalt  }
0x4b: {  	_ =	shalt  }
0x4c: {  	_ =	shalt  }
0x4d: {  	_ =	shalt  }
0x4e: {  	_ =	shalt  }
0x4f: {  	_ =	shalt  }
0x50: {  	_ =	shalt  }
0x51: {  	_ =	shalt  }
0x52: {  	_ =	shalt  }
0x53: {  	_ =	shalt  }
0x54: {  	_ =	shalt  }
0x55: {  	_ =	shalt  }
0x56: {  	_ =	shalt  }
0x57: {  	_ =	shalt  }
0x58: {  	_ =	shalt  }
0x59: {  	_ =	shalt  }
0x5a: {  	_ =	shalt  }
0x5b: {  	_ =	shalt  }
0x5c: {  	_ =	shalt  }
0x5d: {  	_ =	shalt  }
0x5e: {  	_ =	shalt  }
0x5f: {  	_ =	shalt  }
0x60: {  	_ =	shalt  }
0x61: {  	_ =	shalt  }
0x62: {  	_ =	shalt  }
0x63: {  	_ =	shalt  }
0x64: {  	_ =	shalt  }
0x65: {  	_ =	shalt  }
0x66: {  	_ =	shalt  }
0x67: {  	_ =	shalt  }
0x68: {  	_ =	shalt  }
0x69: {  	_ =	shalt  }
0x6a: {  	_ =	shalt  }
0x6b: {  	_ =	shalt  }
0x6c: {  	_ =	shalt  }
0x6d: {  	_ =	shalt  }
0x6e: {  	_ =	shalt  }
0x6f: {  	_ =	shalt  }
0x70: {  	_ =	shalt  }
0x71: {  	_ =	shalt  }
0x72: {  	_ =	shalt  }
0x73: {  	_ =	shalt  }
0x74: {  	_ =	shalt  }
0x75: {  	_ =	shalt  }
0x76: {  	_ =	shalt  }
0x77: {  	_ =	shalt  }
0x78: {  	_ =	shalt  }
0x79: {  	_ =	shalt  }
0x7a: {  	_ =	shalt  }
0x7b: {  	_ =	shalt  }
0x7c: {  	_ =	shalt  }
0x7d: {  	_ =	shalt  }
0x7e: {  	_ =	shalt  }
0x7f: {  	_ =	shalt  }
0x80: {  	_ =	shalt  }
0x81: {  	_ =	shalt  }
0x82: {  	_ =	shalt  }
0x83: {  	_ =	shalt  }
0x84: {  	_ =	shalt  }
0x85: {  	_ =	shalt  }
0x86: {  	_ =	shalt  }
0x87: {  	_ =	shalt  }
.Lfunc_end0:
.L_simem_size_0:
called_computation_lowered:
.L_overlay_start_0:
0x88: {  	s2 =	sld [smem:$0x3FD9]  }
0x89: {  	s3 =	sld [smem:$0x3FFE];
	_ =	sdelay $0x1  }
0x8a: {  	s1 =	srdreg.scid  }
0x8b: {  	s0 =	sand.u32 $0x1, s1  }
0x8c: {  	s14 =	sshll.u32 s0, $0xA;
	s2 =	sadd.s32 s3, s2  }
0x8d: {  	s2 =	sadd.s32 s2, s14  }
0x8e: {  	[smem:$0x3FC3] =	sst s2  }
0x8f: {  	_ = 	snop  }
0x90: {  	s2 =	sld [smem:$0x3FD0];
	_ =	sdelay $0x1  }
0x91: {  	s15 =	sld [smem:$0x3FC9]  }
0x92: {  	s5 =	simm.s32 $0xA;
	s6 =	simm.s32 $0x10;
	s4 =	sld [smem:$0x3FC8]  }
0x93: {  	[smem:s6], [sflag:s5] =	dma.local [hbm:s2], $0x1  }
0x94: {  	_ =	swait.eq [sflag:s5], $0x1  }
0x95: {  	[sflag:s5] =	ssyncset.done $0x0  }
0x96: {  	s16 =	sld [smem:$0x10];
	[sflag:s5] =	ssyncadd.s32 $0xFFFFFFFF  }
0x97: {  	s17 =	sld [smem:$0x11];
	(tm) =	ssettm $0x1  }
0x98: {  	s18 =	sld [smem:$0x3FFB];
	_ =	sdelay $0x3  }
0x99: {  	_ =	strace s18  }
0x9a: {  	s6 =	sld [smem:$0x3FFC];
	_ =	sdelay $0x3  }
0x9b: {  	_ =	strace s6  }
0x9c: {  	s6 =	sld [smem:$0x3FFD];
	_ =	sdelay $0x3  }
0x9d: {  	_ =	strace s6  }
0x9e: {  	_ =	strace $0x8FFFFFFF  }
0x9f: {  	s19 =	sld [smem:$0x3FDB];
	_ =	sdelay $0x1  }
0xa0: {  	s7 =	simm.s32 $_scs_section_size  }
0xa1: {  	s8 =	simm.s32 $_size__tile_overlayer_lowered;
	s9 =	simm.s32 $_tile_overlayer_lowered  }
0xa2: {  	s22 =	simm.s32 $0x1BFF;
	s21 =	sshll.u32 s9, $0x1;
	s6 =	sadd.s32 s7, s19  }
0xa3: {  	s10 =	simm.s32 $0x0;
	s20 =	sshll.u32 s8, $0x1;
	s8 =	sadd.s32 s21, s6  }
0xa4: {  	[timem:s10], [sflag:s22] =	dma.local [hbm:s8], s20  }
0xa5: {  	_ =	swait.ge [sflag:s22], s20  }
0xa6: {  	s7 =	ssub.s32 $0x0, s20;
	[sflag:s22] =	ssyncset.done $0x0  }
0xa7: {  	[sflag:s22] =	ssyncadd.s32 s7;
	_ =	sdelay $0x1  }
0xa8: {  	s23 =	simm.s32 $0x1B8B  }
0xa9: {  	_ =	swait.ge [sflag:s23], $0x1  }
0xaa: {  	[sflag:s23] =	ssyncset.done $0x0  }
0xab: {  	s25 =	simm.s32 $0x1B8E;
	s24 =	sld [smem:$0x3FFE];
	[sflag:s23] =	ssyncadd.s32 $0xFFFFFFFF  }
0xac: {  	s26 =	simm.s32 $execute0_lowered;
	[smem:$0x3FD2] =	sst s25  }
0xad: {  	s8 =	sshll.u32 s26, $0x1;
	_ =	strace $0x80000046;
	[dreg:$0x1] =	wrdreg $0xFFFFFFFF  }
0xae: {  	s28 =	simm.s32 $_size_execute0_lowered;
	s6 =	sadd.s32 s6, s8;
	[dreg:$0x0] =	wrdreg $0x0  }
0xaf: {  	s8 =	sshll.u32 s28, $0x1;
	[dreg:$0x2] =	wrdreg s6  }
0xb0: {  	[dreg:$0x3] =	wrdreg s8  }
0xb1: {  	[dreg:$0x4] =	wrdreg $0xC0  }
0xb2: {  	_ =	task [dreg:s10], $0x5FFFF  }
0xb3: {  	[dreg:$0x1] =	wrdreg $0xFFFFFFFF  }
0xb4: {  	[dreg:$0x0] =	wrdreg $0x60  }
0xb5: {  	[dreg:$0x2] =	wrdreg s15  }
0xb6: {  	[dreg:$0x3] =	wrdreg s4  }
0xb7: {  	[dreg:$0x4] =	wrdreg s24  }
0xb8: {  	[dreg:$0x5] =	wrdreg s16  }
0xb9: {  	[dreg:$0x6] =	wrdreg s17  }
0xba: {  	[dreg:$0x7] =	wrdreg $0x9  }
0xbb: {  	_ =	task.clear_ibuf [dreg:s10], $0x8FFFF;
	_ =	strace $0x90000046  }
0xbc: {  	s29 =	simm.s32 $0x9;
	_ =	strace $0x80000048  }
0xbd: {  	_ =	swait.ge [sflag:s29], $0x1  }
0xbe: {  	[sflag:s29] =	ssyncadd.s32 $0xFFFFFFFF  }
0xbf: {  	_ =	strace $0x90000048  }
0xc0: {  	_ =	sfence  }
0xc1: {  	s30 =	sld [smem:$0x0];
	_ =	sdelay $0x2  }
0xc2: {  	s31 =	sshll.u32 s1, $0xD;
	s1 =	sshrl.u32 s1, $0x2  }
0xc3: {  	s3 =	sand.u32 $0x4000, s31;
	s1 =	sadd.s32 s1, s30  }
0xc4: {  	s0 =	sor.u32 s3, s0;
	s1 =	sshll.u32 s1, $0x11  }
0xc5: {  	s0 =	sor.u32 s1, s0  }
0xc6: {  	s0 =	sadd.s32 $0x8F2B, s0  }
0xc7: {  	[sflag:s0] =	ssyncadd.remote.s32 $0x1  }
0xc8: {  	_ =	sfence.sel $0xFFFF  }
0xc9: {  	[dreg:$0x0] =	wrdreg $0xFFFFFFFF;
	(pc) =	sbr.abs _section_cstart, $3  }
0xca: {  	[dreg:$0x1] =	wrdreg $0xFFFFFFFF  }
0xcb: {  	_ =	task.clear_ibuf [dreg:s10], $0x2FFFF;
	_ =	strace $0x9FFFFFFF  }
0xcc: {  	(tm) =	ssettm $0x7FFFFFFF  }
0xcd: {  	_ =	shalt  }
tec
execute0_lowered:
.L_overlay_start_1:
0x0: {  	(tag) =	ssettag $0x1  }
0x1: {  	s0 =	rddreg [dreg:$0x0]  }
0x2: {  	s1 =	rddreg [dreg:$0x1]  }
0x3: {  	s3 =	rddreg [dreg:$0x2]  }
0x4: {  	s4 =	rddreg [dreg:$0x3]  }
0x5: {  	s5 =	rddreg [dreg:$0x4];
	s2 =	simm.s32 $0x0  }
0x6: {  	s6 =	srdreg.scid;
	s7 =	stileid.u32;
	s14 =	simm.s32 $0xA00  }
0x7: {  	s15 =	simm.s32 $0xB00;
	[smem:$0x7FF] =	sst s2;
	s8 =	sadd.s32 $0xC00, s3  }
0x8: {  	s6 =	sand.u32 $0x1, s6;
	s7 =	sshll.u32 s7, $0x1;
	s22 =	sadd.s32 $0xE00, s3  }
0x9: {  	s26 =	sadd.s32 $0xC1E, s3;
	_ =	strace $0x80000047;
	[dreg:$0x6] =	wrdreg s8  }
0xa: {  	[dreg:$0x7] =	wrdreg s22;
	s23 =	ssub.s32 $0x2, s6;
	s6 =	sor.u32 s6, s7  }
0xb: {  	s28 =	sadd.s32 $0xC3C, s3;
	[dreg:$0xa] =	wrdreg s26;
	s9 =	sshll.u32 s6, $0x8  }
0xc: {  	[dreg:$0xb] =	wrdreg s28;
	s6 =	sshll.u32 s6, $0x6;
	s0 =	sadd.s32 s0, s9  }
0xd: {  	v0 =	vlaneseq.u32;
	s12 =	simm.s32 $0x1480;
	s25 =	sadd.s32 s1, s6;
	[dreg:$0x8] =	wrdreg s0  }
0xe: {  	v32 =	vor.u32 $0x80, v0;
	s24 =	sshrl.u32 s23, $0x1;
	s29 =	sadd.s32 s4, s9;
	[dreg:$0x9] =	wrdreg s25  }
0xf: {  	v33 =	vor.u32 $0x100, v0;
	[tilespmem:$0x1FFD0] =	vst v32;
	s7 =	ssub.s32 s23, s24;
	s30 =	sadd.s32 s5, s9;
	[dreg:$0xc] =	wrdreg s29  }
0x10: {  	s16 =	simm.s32 $0x1780;
	v34 =	vor.u32 $0x180, v0;
	[tilespmem:$0x1FFE0] =	vst v33;
	[dreg:$0xd] =	wrdreg s30;
	s31 =	smax.u32 s7, $0x1  }
0x11: {  	s3 =	simm.s32 $0x0;
	[tilespmem:$0x1FFF0] =	vst v34;
	s23 =	simm.s32 $0xC00;
	[dreg:$0xe] =	wrdreg s31  }
.LBB2_1:
0x12: {  	[dreg:$0xf] =	wrdreg s3  }
0x13: {  	s0 =	rddreg [dreg:$0x8]  }
0x14: {  	[tilespmem:s2], [sflag:$0x1] =	stream.linear.gather [hbm4b:s0+s2], $0x800, $0x38;
	[tilespmem:$0x2B80] =	vst v63  }
0x15: {  	s7 =	rddreg [dreg:$0x9];
	s1 =	simm.s32 $0x800  }
0x16: {  	[tilespmem:s1], [sflag:$0x2] =	stream.linear.gather [hbm4b:s7+s2], $0x200, $0x38;
	[tilespmem:$0x2B80] =	vst v63  }
0x17: {  	s8 =	rddreg [dreg:$0x6]  }
0x18: {  	[tilespmem:s14], [sflag:$0x3] =	stream.linear.gather [hbm4b:s8+s2], $0xF0, $0x38;
	[tilespmem:$0x2B80] =	vst v63  }
0x19: {  	s9 =	rddreg [dreg:$0xa]  }
0x1a: {  	[tilespmem:s15], [sflag:$0x4] =	stream.linear.gather [hbm4b:s9+s2], $0xF0, $0x38;
	[tilespmem:$0x2B80] =	vst v63  }
0x1b: {  	s10 =	rddreg [dreg:$0xb]  }
0x1c: {  	[tilespmem:s23], [sflag:$0x5] =	stream.linear.gather [hbm4b:s10+s2], $0xF0, $0x38;
	[tilespmem:$0x2B80] =	vst v63  }
0x1d: {  	s11 =	rddreg [dreg:$0x7];
	s13 =	simm.s32 $0xD00;
	s14 =	simm.s32 $0x3  }
0x1e: {  	[tilespmem:s13], [sflag:$0x6] =	stream.linear.gather [hbm4b:s11+s2], $0x280, $0x38;
	[tilespmem:$0x2B80] =	vst v63  }
0x1f: {  	_ =	swait.ge [sflag:s14], $0xF0  }
0x20: {  	[sflag:s14] =	ssyncset.done $0x0  }
0x21: {  	s15 =	simm.s32 $0x4;
	[sflag:s14] =	ssyncadd.s32 $0xFFFFFF10  }
0x22: {  	_ =	swait.ge [sflag:s15], $0xF0  }
0x23: {  	[sflag:s15] =	ssyncset.done $0x0  }
0x24: {  	s17 =	simm.s32 $0x5;
	[sflag:s15] =	ssyncadd.s32 $0xFFFFFF10  }
0x25: {  	_ =	swait.ge [sflag:s17], $0xF0  }
0x26: {  	[sflag:s17] =	ssyncset.done $0x0  }
0x27: {  	s18 =	simm.s32 $0x6;
	[sflag:s17] =	ssyncadd.s32 $0xFFFFFF10  }
0x28: {  	_ =	swait.ge [sflag:s18], $0x280  }
0x29: {  	[sflag:s18] =	ssyncset.done $0x0  }
0x2a: {  	[sflag:s18] =	ssyncadd.s32 $0xFFFFFD80  }
0x2b: {  	v23 =	vld [tilespmem:$0xD00]  }
0x2c: {  	v22 =	vld [tilespmem:$0xD10]  }
0x2d: {  	v21 =	vld [tilespmem:$0xD20]  }
0x2e: {  	v20 =	vld [tilespmem:$0xD40]  }
0x2f: {  	v19 =	vld [tilespmem:$0xD60]  }
0x30: {  	v17 =	vld [tilespmem:$0xD90]  }
0x31: {  	v4 =	vld [tilespmem:$0xDA0]  }
0x32: {  	v6 =	vld [tilespmem:$0xDC0]  }
0x33: {  	v26 =	vld [tilespmem:$0xDD0]  }
0x34: {  	v10 =	vld [tilespmem:$0xE20]  }
0x35: {  	v12 =	vld [tilespmem:$0xE90]  }
0x36: {  	v5 =	vld [tilespmem:$0xEE0]  }
0x37: {  	s19 =	simm.s32 $0xA10;
	v2 =	vld [tilespmem:$0xF10]  }
0x38: {  	s20 =	simm.s32 $0xB10;
	v49 =	vld [tilespmem:s19+$0x0]  }
0x39: {  	v1 =	vld [tilespmem:s20+$0xFFFFFFF0]  }
0x3a: {  	v39 =	vld [tilespmem:s19+$0xFFFFFFF0]  }
0x3b: {  	s21 =	simm.s32 $0xC10;
	v28 =	vld [tilespmem:$0xF50]  }
0x3c: {  	v38 =	vld [tilespmem:s21+$0xFFFFFFF0]  }
0x3d: {  	v24 =	vld [tilespmem:$0xE30];
	[tilespmem:$0x1FD50] =	vst v2  }
0x3e: {  	v42 =	vld [tilespmem:s20+$0x0]  }
0x3f: {  	v47 =	vld [tilespmem:s21+$0x0];
	[tilespmem:$0x1FD60] =	vst v5  }
0x40: {  	v16 =	vld [tilespmem:$0xE50];
	[tilespmem:$0x1FD70] =	vst v6  }
0x41: {  	v18 =	vld [tilespmem:$0xE40];
	[tilespmem:$0x1FD80] =	vst v10  }
0x42: {  	v27 =	vld [tilespmem:$0xE80];
	[tilespmem:$0x1FD90] =	vst v12  }
0x43: {  	v37 =	vld [tilespmem:$0xD30];
	v0 =	vmul.f32 v49, v23;
	[tilespmem:$0x1FDA0] =	vst v28  }
0x44: {  	v33 =	vld [tilespmem:$0xF40];
	v40 =	vmul.f32 v49, v2;
	v2 =	vmul.f32 v49, v6;
	[tilespmem:$0x1FDB0] =	vst v24  }
0x45: {  	v25 =	vld [tilespmem:$0xEA0];
	v46 =	vmul.f32 v49, v16;
	v3 =	vmul.f32 v1, v22;
	[tilespmem:$0x1FDC0] =	vst v4  }
0x46: {  	v30 =	vld [tilespmem:$0xF60];
	v52 =	vmul.f32 v39, v5;
	v51 =	vmul.f32 v1, v12;
	[tilespmem:$0x1FDD0] =	vst v17  }
0x47: {  	v31 =	vld [tilespmem:$0xE00];
	v7 =	vmul.f32 v38, v21;
	v8 =	vmul.f32 v49, v27;
	[tilespmem:$0x1FDE0] =	vst v23  }
0x48: {  	v41 =	vld [tilespmem:$0xDF0];
	v11 =	vmul.f32 v38, v18;
	v32 =	vmul.f32 v39, v17;
	[tilespmem:$0x1FDF0] =	vst v37  }
0x49: {  	v45 =	vld [tilespmem:$0xDE0];
	v34 =	vmul.f32 v39, v37;
	v60 =	vmul.f32 v49, v37;
	[tilespmem:$0x1FE10] =	vst v33  }
0x4a: {  	v5 =	vmul.f32 v39, v6;
	v6 =	vmul.f32 v39, v10;
	[tilespmem:$0x1FE20] =	vst v20  }
0x4b: {  	[tilespmem:$0x1FE30] =	vst v26;
	v17 =	vld [tilespmem:$0xF20];
	v9 =	vadd.f32 v0, v33;
	v0 =	vmul.f32 v49, v10;
	v10 =	vmul.f32 v39, v19  }
0x4c: {  	v36 =	vld [tilespmem:$0xEB0];
	[tilespmem:$0x1FE40] =	vst v31;
	v8 =	vadd.f32 v8, v30;
	v12 =	vmul.f32 v42, v12;
	v13 =	vmul.f32 v42, v26  }
0x4d: {  	v63 =	vld [tilespmem:$0xD80];
	[tilespmem:$0x1FE50] =	vst v41;
	v2 =	vadd.f32 v2, v28;
	v14 =	vmul.f32 v47, v25;
	v59 =	vmul.f32 v42, v24  }
0x4e: {  	[tilespmem:$0x1FE60] =	vst v45;
	v15 =	vmul.f32 v42, v20;
	v8 =	vadd.f32 v12, v8;
	v12 =	vmul.f32 v1, v24;
	v24 =	vld [tilespmem:$0xD70]  }
0x4f: {  	v62 =	vld [tilespmem:$0xD50];
	[tilespmem:$0x1FE70] =	vst v22;
	v43 =	vmul.f32 v42, v31;
	v61 =	vadd.f32 v59, v0;
	v0 =	vmul.f32 v39, v23  }
0x50: {  	[tilespmem:$0x1FE80] =	vst v19;
	v5 =	vadd.f32 v5, v28;
	v44 =	vmul.f32 v47, v45;
	v54 =	vmul.f32 v1, v17  }
0x51: {  	v35 =	vld [tilespmem:$0xEC0];
	[tilespmem:$0x1FEC0] =	vst v21;
	v55 =	vadd.f32 v14, v8;
	v14 =	vmul.f32 v1, v4;
	v0 =	vadd.f32 v0, v33  }
0x52: {  	[tilespmem:$0x1FED0] =	vst v63;
	v13 =	vadd.f32 v13, v2;
	v2 =	vmul.f32 v39, v36;
	v6 =	vadd.f32 v12, v6  }
0x53: {  	v29 =	vld [tilespmem:$0xED0];
	[tilespmem:$0x1FEE0] =	vst v25;
	v4 =	vadd.f32 v14, v32;
	v0 =	vadd.f32 v3, v0;
	v3 =	vmul.f32 v1, v24  }
0x54: {  	[tilespmem:$0x1FEF0] =	vst v62;
	v15 =	vadd.f32 v15, v60;
	v53 =	vadd.f32 v11, v6;
	v11 =	vmul.f32 v42, v22  }
0x55: {  	v6 =	vmul.f32 v38, v63;
	[tilespmem:$0x1FE00] =	vst v4;
	v4 =	vadd.f32 v7, v0;
	v7 =	vadd.f32 v3, v10  }
0x56: {  	[tilespmem:$0x1FF00] =	vst v36;
	v12 =	vmul.f32 v1, v35;
	v14 =	vmul.f32 v1, v20;
	v20 =	vld [tilespmem:$0xEF0];
	v9 =	vadd.f32 v11, v9  }
0x57: {  	[tilespmem:$0x1FF10] =	vst v35;
	v11 =	vmul.f32 v42, v24;
	v58 =	vadd.f32 v6, v7;
	v7 =	vmul.f32 v49, v19  }
0x58: {  	[tilespmem:$0x1FF30] =	vst v29;
	v33 =	vld [tilespmem:$0xF00];
	v48 =	vadd.f32 v12, v2;
	v2 =	vmul.f32 v1, v26;
	v12 =	vmul.f32 v39, v41  }
0x59: {  	[tilespmem:$0x1FF40] =	vst v18;
	v0 =	vmul.f32 v49, v41;
	v41 =	vld [tilespmem:$0xE60];
	v7 =	vadd.f32 v11, v7;
	v11 =	vmul.f32 v47, v63  }
0x5a: {  	[tilespmem:$0x1FF60] =	vst v27;
	v8 =	vmul.f32 v38, v29;
	v3 =	vadd.f32 v2, v5;
	v5 =	vmul.f32 v38, v45;
	v45 =	vld [tilespmem:$0xE10]  }
0x5b: {  	[tilespmem:$0x1FEB0] =	vst v17;
	v2 =	vadd.f32 v43, v0;
	v0 =	vmul.f32 v1, v20;
	v11 =	vadd.f32 v11, v7;
	v7 =	vld [tilespmem:$0xF30]  }
0x5c: {  	v50 =	vld [tilespmem:$0xDB0];
	[tilespmem:$0x1FE90] =	vst v24;
	v14 =	vadd.f32 v14, v34;
	v3 =	vadd.f32 v5, v3;
	v5 =	vmul.f32 v38, v62  }
0x5d: {  	v26 =	vmul.f32 v1, v31;
	v57 =	vadd.f32 v8, v48;
	[tilespmem:$0x1FF70] =	vst v33;
	v8 =	vadd.f32 v0, v52  }
0x5e: {  	s6 =	simm.s32 $0x1890;
	v0 =	vadd.f32 v5, v14;
	v5 =	vmul.f32 v38, v33;
	[tilespmem:$0x1FEA0] =	vst v41;
	v52 =	vmul.f32 v42, v17;
	v17 =	vld [tilespmem:$0xE70]  }
0x5f: {  	s3 =	simm.s32 $0x1090;
	s22 =	simm.s32 $0xF90;
	s4 =	simm.s32 $0x0;
	v59 =	vmul.f32 v38, v25;
	v10 =	vadd.f32 v26, v12;
	v6 =	vmul.f32 v1, v41;
	[tilespmem:$0x1FF20] =	vst v45  }
0x60: {  	s5 =	simm.s32 $0xC30;
	s24 =	simm.s32 $0x13B0;
	s25 =	simm.s32 $0x12B0;
	v1 =	vmul.f32 v38, v45;
	v56 =	vadd.f32 v5, v8;
	v8 =	vmul.f32 v47, v21;
	[tilespmem:$0x1FF50] =	vst v7  }
0x61: {  	s26 =	simm.s32 $0x17B0;
	s28 =	simm.s32 $0x16B0;
	s29 =	simm.s32 $0x15B0;
	v60 =	vmul.f32 v38, v50;
	v12 =	vadd.f32 v44, v13;
	v13 =	vmul.f32 v42, v35;
	[tilespmem:s22+$0xFFFFFFF0] =	vst v4  }
0x62: {  	s30 =	simm.s32 $0x18B0;
	s31 =	simm.s32 $0xB30;
	s0 =	simm.s32 $0xA30;
	v5 =	vadd.f32 v1, v10;
	v1 =	vmul.f32 v47, v62;
	v10 =	vadd.f32 v8, v9;
	[tilespmem:$0x1FF80] =	vst v20  }
0x63: {  	s7 =	simm.s32 $0x1790;
	s8 =	simm.s32 $0x1690;
	s9 =	simm.s32 $0x1590;
	v14 =	vmul.f32 v39, v27;
	v63 =	vmul.f32 v47, v45;
	[tilespmem:$0x1FF90] =	vst v17  }
0x64: {  	s10 =	simm.s32 $0x1490;
	s23 =	simm.s32 $0x14B0;
	s11 =	simm.s32 $0x1A90;
	v62 =	vmul.f32 v47, v29;
	v9 =	vmul.f32 v49, v36;
	v8 =	vadd.f32 v1, v15;
	[tilespmem:s22+$0x0] =	vst v10  }
0x65: {  	s13 =	simm.s32 $0x11B0;
	s14 =	simm.s32 $0x10B0;
	s15 =	simm.s32 $0xFB0;
	v1 =	vmul.f32 v47, v18;
	v15 =	vadd.f32 v14, v30;
	v14 =	vmul.f32 v47, v50;
	[tilespmem:$0x1FFA0] =	vst v30  }
0x66: {  	s17 =	simm.s32 $0x1990;
	s18 =	simm.s32 $0x1390;
	s19 =	simm.s32 $0x1290;
	v9 =	vadd.f32 v13, v9;
	v13 =	vmul.f32 v42, v20;
	v7 =	vmul.f32 v47, v33;
	[tilespmem:$0x1FFB0] =	vst v50  }
0x67: {  	s20 =	simm.s32 $0x1190;
	s21 =	simm.s32 $0x1990;
	v4 =	vadd.f32 v1, v61;
	v1 =	vmul.f32 v38, v17;
	v10 =	vmul.f32 v39, v16;
	s22 =	simm.s32 $0x1A90;
	[tilespmem:$0x1FFC0] =	vst v16  }
.LBB2_2:
0x68: {  	v16 =	vld [tilespmem:s0+$0x0]  }
0x69: {  	v20 =	vld [tilespmem:$0x1FD50]  }
0x6a: {  	v48 =	vld [tilespmem:$0x1FEA0]  }
0x6b: {  	v61 =	vld [tilespmem:s31+$0xFFFFFFF0]  }
0x6c: {  	v50 =	vld [tilespmem:$0x1FF90]  }
0x6d: {  	v28 =	vld [tilespmem:$0x1FDD0]  }
0x6e: {  	v27 =	vld [tilespmem:$0x1FDC0]  }
0x6f: {  	v33 =	vld [tilespmem:$0x1FDE0]  }
0x70: {  	v21 =	vld [tilespmem:$0x1FD70]  }
0x71: {  	v29 =	vld [tilespmem:$0x1FFC0]  }
0x72: {  	v32 =	vld [tilespmem:$0x1FE70]  }
0x73: {  	v41 =	vld [tilespmem:$0x1FE10]  }
0x74: {  	v45 =	vld [tilespmem:$0x1FED0]  }
0x75: {  	v24 =	vld [tilespmem:$0x1FE80]  }
0x76: {  	v35 =	vld [tilespmem:$0x1FF60]  }
0x77: {  	v17 =	vadd.f32 v6, v10;
	v10 =	vld [tilespmem:$0x1FF50]  }
0x78: {  	v30 =	vld [tilespmem:$0x1FF40]  }
0x79: {  	v34 =	vld [tilespmem:$0x1FE30];
	[tilespmem:s3+$0x0] =	vst v12  }
0x7a: {  	[tilespmem:s20+$0x0] =	vst v55;
	v22 =	vmul.f32 v39, v20;
	v39 =	vld [tilespmem:s0+$0xFFFFFFF0]  }
0x7b: {  	v15 =	vadd.f32 v51, v15;
	v12 =	vmul.f32 v42, v48;
	v25 =	vmul.f32 v42, v27;
	v42 =	vld [tilespmem:s31+$0x0];
	[tilespmem:s3+$0xFFFFFFF0] =	vst v3  }
0x7c: {  	[tilespmem:s19+$0x0] =	vst v8;
	v19 =	vmul.f32 v47, v10;
	v10 =	vmul.f32 v38, v10;
	v38 =	vld [tilespmem:s5+$0xFFFFFFF0];
	v6 =	vadd.f32 v54, v22  }
0x7d: {  	v18 =	vmul.f32 v47, v50;
	v3 =	vadd.f32 v59, v15;
	v26 =	vmul.f32 v16, v33;
	v47 =	vld [tilespmem:s5+$0x0]  }
0x7e: {  	v2 =	vadd.f32 v63, v2;
	v23 =	vmul.f32 v49, v28;
	v15 =	vadd.f32 v10, v6;
	v10 =	vld [tilespmem:$0x1FD60]  }
0x7f: {  	[tilespmem:s20+$0xFFFFFFF0] =	vst v3;
	v3 =	vadd.f32 v62, v9;
	v9 =	vadd.f32 v26, v41;
	v26 =	vld [tilespmem:$0x1FEB0]  }
0x80: {  	[tilespmem:s18+$0x0] =	vst v2;
	v36 =	vadd.f32 v25, v23;
	v23 =	vld [tilespmem:$0x1FD90]  }
0x81: {  	v55 =	vmul.f32 v16, v20;
	v37 =	vmul.f32 v16, v21;
	v25 =	vld [tilespmem:$0x1FEE0];
	[tilespmem:s19+$0xFFFFFFF0] =	vst v0  }
0x82: {  	v31 =	vld [tilespmem:$0x1FE20];
	v8 =	vmul.f32 v16, v29;
	v20 =	vmul.f32 v61, v32;
	v12 =	vadd.f32 v12, v46;
	[tilespmem:$0x1FD40] =	vst v9  }
0x83: {  	v22 =	vld [tilespmem:$0x1FDA0];
	[tilespmem:s10+$0x0] =	vst v3;
	v3 =	vadd.f32 v14, v36;
	v2 =	vmul.f32 v39, v21;
	v6 =	vmul.f32 v49, v10  }
0x84: {  	v9 =	vld [tilespmem:$0x1FD80];
	[tilespmem:s18+$0xFFFFFFF0] =	vst v5;
	v12 =	vadd.f32 v18, v12;
	v14 =	vmul.f32 v39, v24;
	v18 =	vmul.f32 v39, v28  }
0x85: {  	v62 =	vld [tilespmem:$0x1FF30];
	[tilespmem:s9+$0x0] =	vst v11;
	v11 =	vmul.f32 v38, v30;
	v43 =	vmul.f32 v42, v26;
	v5 =	vadd.f32 v13, v6  }
0x86: {  	v36 =	vld [tilespmem:$0x1FFA0];
	[tilespmem:s10+$0xFFFFFFF0] =	vst v57;
	v51 =	vmul.f32 v61, v23;
	v59 =	vmul.f32 v38, v25  }
0x87: {  	v54 =	vmul.f32 v61, v26;
	v5 =	vadd.f32 v7, v5;
	v7 =	vadd.f32 v52, v40;
	v52 =	vmovc v43;
	v43 =	vld [tilespmem:$0x1FE00]  }
0x88: {  	v44 =	vld [tilespmem:$0x1FF00];
	v21 =	vadd.f32 v37, v22;
	v37 =	vmul.f32 v42, v23;
	v23 =	vmul.f32 v42, v34;
	v49 =	vmovc v16  }
0x89: {  	[tilespmem:s9+$0xFFFFFFF0] =	vst v58;
	v2 =	vadd.f32 v2, v22;
	v22 =	vmul.f32 v16, v9;
	v16 =	vmul.f32 v49, v35;
	v40 =	vld [tilespmem:$0x1FDB0]  }
0x8a: {  	v1 =	vadd.f32 v1, v17;
	[tilespmem:s8+$0x0] =	vst v4;
	v17 =	vmul.f32 v47, v25;
	v26 =	vmul.f32 v42, v31;
	v6 =	vld [tilespmem:$0x1FEC0]  }
0x8b: {  	v4 =	vmul.f32 v38, v62;
	[tilespmem:s8+$0xFFFFFFF0] =	vst v53;
	v62 =	vmul.f32 v47, v62;
	v16 =	vadd.f32 v16, v36  }
0x8c: {  	[tilespmem:s7+$0xFFFFFFF0] =	vst v56;
	v56 =	vmul.f32 v38, v45;
	v10 =	vmul.f32 v39, v10;
	v58 =	vadd.f32 v60, v43;
	v43 =	vld [tilespmem:$0x1FF20]  }
0x8d: {  	v46 =	vmovc v55;
	v0 =	vmul.f32 v39, v9;
	v24 =	vmul.f32 v49, v24;
	v16 =	vadd.f32 v37, v16  }
0x8e: {  	v25 =	vmul.f32 v49, v44;
	v7 =	vadd.f32 v19, v7;
	[tilespmem:s7+$0x0] =	vst v5;
	v57 =	vmul.f32 v61, v40;
	v60 =	vld [tilespmem:$0x1FDF0]  }
0x8f: {  	v37 =	vld [tilespmem:$0x1FE40];
	v5 =	vmul.f32 v61, v27;
	v13 =	vmul.f32 v38, v6;
	v55 =	vadd.f32 v17, v16;
	[tilespmem:s6+$0x0] =	vst v3  }
0x90: {  	[tilespmem:s21+$0x0] =	vst v12;
	v12 =	vmul.f32 v39, v44;
	v44 =	vld [tilespmem:$0x1FE60];
	v0 =	vadd.f32 v57, v0;
	v57 =	vmul.f32 v39, v33  }
0x91: {  	v5 =	vadd.f32 v5, v18;
	v63 =	vmul.f32 v47, v43;
	v27 =	vmul.f32 v38, v43;
	v43 =	vld [tilespmem:$0x1FF10]  }
0x92: {  	v17 =	vmul.f32 v42, v40;
	v40 =	vld [tilespmem:$0x1FEF0];
	[tilespmem:s22+$0x0] =	vst v7;
	v7 =	vadd.f32 v57, v41;
	v41 =	vmul.f32 v61, v31  }
0x93: {  	v21 =	vadd.f32 v23, v21;
	[tilespmem:$0x1FE00] =	vst v5;
	v33 =	vmul.f32 v39, v60;
	v5 =	vmul.f32 v49, v60;
	v60 =	vld [tilespmem:$0x1FE90]  }
0x94: {  	v9 =	vmul.f32 v47, v6;
	v6 =	vmul.f32 v47, v45;
	[tilespmem:s6+$0xFFFFFFF0] =	vst v58;
	v53 =	vadd.f32 v11, v0;
	v11 =	vld [tilespmem:$0x1FF80]  }
0x95: {  	v16 =	vmul.f32 v42, v37;
	[tilespmem:s21+$0xFFFFFFF0] =	vst v1;
	v1 =	vadd.f32 v20, v7;
	v7 =	vadd.f32 v41, v33;
	v33 =	vld [tilespmem:$0x1FE50]  }
0x96: {  	v17 =	vadd.f32 v17, v22;
	v22 =	vmul.f32 v47, v44;
	v3 =	vmul.f32 v61, v43  }
0x97: {  	v19 =	vmul.f32 v47, v40;
	v20 =	vmul.f32 v38, v40;
	v26 =	vadd.f32 v26, v5  }
0x98: {  	v5 =	vmul.f32 v38, v44;
	v41 =	vld [tilespmem:$0x1FF70];
	v23 =	vadd.f32 v3, v12;
	v12 =	vmul.f32 v61, v60  }
0x99: {  	v1 =	vadd.f32 v13, v1;
	v0 =	vmul.f32 v61, v11;
	v3 =	vmul.f32 v61, v34  }
0x9a: {  	v45 =	vld [tilespmem:$0x1FFB0];
	[tilespmem:s22+$0xFFFFFFF0] =	vst v15;
	v15 =	vmul.f32 v49, v33;
	v13 =	vmul.f32 v39, v33;
	v14 =	vadd.f32 v12, v14  }
0x9b: {  	[tilespmem:s15+$0xFFFFFFF0] =	vst v1;
	v34 =	vmul.f32 v61, v37;
	v1 =	vadd.f32 v3, v2;
	v57 =	vadd.f32 v4, v23  }
0x9c: {  	s4 =	sadd.s32 $0x2, s4;
	s11 =	sadd.s32 $0x20, s11;
	s17 =	sadd.s32 $0x20, s17;
	v37 =	vmul.f32 v42, v32;
	v4 =	vadd.f32 v0, v10;
	v0 =	vadd.f32 v20, v7;
	v7 =	vld [tilespmem:$0x1FD40]  }
0x9d: {  	s1 =	smov.u32 s15;
	p0 =	slt.u32 s4, $0xC;
	s3 =	smov.u32 s14;
	v44 =	vmul.f32 v38, v41;
	v13 =	vadd.f32 v34, v13;
	v2 =	vadd.f32 v16, v15  }
0x9e: {  	s14 =	sadd.s32 $0x20, s14;
	s31 =	sadd.s32 $0x20, s31;
	s0 =	sadd.s32 $0x20, s0;
	v12 =	vadd.f32 v22, v21;
	v16 =	vmul.f32 v47, v30;
	v10 =	vmul.f32 v42, v43  }
0x9f: {  	s5 =	sadd.s32 $0x20, s5;
	s20 =	smov.u32 s13;
	s13 =	sadd.s32 $0x20, s13;
	v3 =	vadd.f32 v5, v1;
	v1 =	vmul.f32 v42, v60;
	v60 =	vmul.f32 v38, v45  }
0xa0: {  	s19 =	smov.u32 s25;
	s25 =	sadd.s32 $0x20, s25;
	s18 =	smov.u32 s24;
	v40 =	vmovc v46;
	v5 =	vmul.f32 v39, v35;
	v58 =	vadd.f32 v56, v14;
	v56 =	vadd.f32 v44, v4  }
.Ltmp0:
0xa1: {  	s24 =	sadd.s32 $0x20, s24;
	s10 =	smov.u32 s23;
	v46 =	vmovc v8;
	v14 =	vmul.f32 v47, v45;
	v4 =	vadd.f32 v1, v24;
	v8 =	vadd.f32 v37, v7;
	(pc) =	sbr.rel @p0 .LBB2_2-.Ltmp0, $4  }
0xa2: {  	s23 =	sadd.s32 $0x20, s23;
	s9 =	smov.u32 s29;
	s29 =	sadd.s32 $0x20, s29;
	v15 =	vadd.f32 v5, v36;
	v5 =	vadd.f32 v27, v13;
	v13 =	vmul.f32 v42, v11  }
0xa3: {  	s8 =	smov.u32 s28;
	s28 =	sadd.s32 $0x20, s28;
	s7 =	smov.u32 s26;
	v1 =	vmul.f32 v38, v50;
	v7 =	vmul.f32 v47, v41;
	v50 =	vadd.f32 v9, v8  }
0xa4: {  	s26 =	sadd.s32 $0x20, s26;
	s6 =	smov.u32 s30;
	s30 =	sadd.s32 $0x20, s30;
	v11 =	vadd.f32 v6, v4;
	v6 =	vmul.f32 v61, v48;
	v4 =	vadd.f32 v16, v17  }
0xa5: {  	s21 =	smov.u32 s17;
	s22 =	smov.u32 s11;
	s15 =	sadd.s32 $0x20, s15;
	v8 =	vadd.f32 v19, v26;
	v9 =	vadd.f32 v10, v25;
	v10 =	vmul.f32 v39, v29;
	[tilespmem:s1+$0x0] =	vst v50  }
0xa6: {  	[tilespmem:s3+$0x0] =	vst v12  }
0xa7: {  	v15 =	vadd.f32 v51, v15;
	[tilespmem:s3+$0xFFFFFFF0] =	vst v3  }
0xa8: {  	v2 =	vadd.f32 v63, v2;
	[tilespmem:s20+$0x0] =	vst v55  }
0xa9: {  	v3 =	vadd.f32 v59, v15;
	[tilespmem:s19+$0x0] =	vst v8  }
0xaa: {  	[tilespmem:s18+$0x0] =	vst v2  }
0xab: {  	[tilespmem:s20+$0xFFFFFFF0] =	vst v3  }
0xac: {  	[tilespmem:s19+$0xFFFFFFF0] =	vst v0  }
0xad: {  	v2 =	vadd.f32 v62, v9;
	[tilespmem:s18+$0xFFFFFFF0] =	vst v5  }
0xae: {  	v17 =	vld [tilespmem:$0x1FD60]  }
0xaf: {  	v16 =	vld [tilespmem:$0x1FDD0];
	[tilespmem:s10+$0x0] =	vst v2  }
0xb0: {  	v15 =	vld [tilespmem:$0x1FDC0];
	_ =	sdelay $0x3  }
0xb1: {  	v0 =	vmul.f32 v49, v17  }
0xb2: {  	v3 =	vmul.f32 v49, v16;
	v2 =	vmul.f32 v42, v15  }
0xb3: {  	[tilespmem:s9+$0x0] =	vst v11;
	v0 =	vadd.f32 v13, v0  }
0xb4: {  	[tilespmem:s10+$0xFFFFFFF0] =	vst v57;
	v2 =	vadd.f32 v2, v3  }
0xb5: {  	[tilespmem:s9+$0xFFFFFFF0] =	vst v58;
	v0 =	vadd.f32 v7, v0  }
0xb6: {  	v18 =	vld [tilespmem:$0x1FEA0];
	[tilespmem:s8+$0x0] =	vst v4;
	v2 =	vadd.f32 v14, v2  }
0xb7: {  	[tilespmem:s7+$0x0] =	vst v0  }
0xb8: {  	v14 =	vld [tilespmem:$0x1FF90];
	[tilespmem:s6+$0x0] =	vst v2  }
0xb9: {  	v19 =	vld [tilespmem:$0x1FF50];
	_ =	sdelay $0x3  }
0xba: {  	[tilespmem:s8+$0xFFFFFFF0] =	vst v53  }
0xbb: {  	v4 =	vadd.f32 v52, v40;
	v13 =	vld [tilespmem:$0x1FD50];
	v2 =	vmul.f32 v47, v19  }
0xbc: {  	v3 =	vmul.f32 v42, v18;
	[tilespmem:s7+$0xFFFFFFF0] =	vst v56  }
0xbd: {  	v2 =	vadd.f32 v2, v4;
	v4 =	vld [tilespmem:$0x1FE00]  }
0xbe: {  	v3 =	vadd.f32 v3, v46;
	v0 =	vmul.f32 v47, v14;
	_ =	sdelay $0x1  }
0xbf: {  	v0 =	vadd.f32 v0, v3;
	v3 =	vmul.f32 v39, v13  }
0xc0: {  	v5 =	vadd.f32 v6, v10  }
0xc1: {  	v3 =	vadd.f32 v54, v3;
	[tilespmem:s21+$0x0] =	vst v0;
	v0 =	vmul.f32 v38, v19;
	v4 =	vadd.f32 v60, v4  }
0xc2: {  	v1 =	vadd.f32 v1, v5;
	[tilespmem:s22+$0x0] =	vst v2  }
0xc3: {  	v0 =	vadd.f32 v0, v3;
	[tilespmem:s6+$0xFFFFFFF0] =	vst v4  }
0xc4: {  	[tilespmem:s21+$0xFFFFFFF0] =	vst v1  }
0xc5: {  	[tilespmem:s22+$0xFFFFFFF0] =	vst v0  }
0xc6: {  	v0 =	vld [tilespmem:$0xAE0]  }
0xc7: {  	v3 =	vld [tilespmem:$0x1FDE0];
	_ =	sdelay $0x1  }
0xc8: {  	v4 =	vld [tilespmem:$0x1FE10];
	_ =	sdelay $0x1  }
0xc9: {  	v5 =	vld [tilespmem:$0x1FD70]  }
0xca: {  	v1 =	vld [tilespmem:$0xBE0];
	v3 =	vmul.f32 v0, v3  }
0xcb: {  	v6 =	vld [tilespmem:$0x1FDA0]  }
0xcc: {  	v3 =	vadd.f32 v3, v4;
	v4 =	vld [tilespmem:$0x1FE70];
	_ =	sdelay $0x1  }
0xcd: {  	v5 =	vmul.f32 v0, v5;
	_ =	sdelay $0x1  }
0xce: {  	v5 =	vadd.f32 v5, v6;
	v6 =	vld [tilespmem:$0x1FE30]  }
0xcf: {  	v4 =	vmul.f32 v1, v4  }
0xd0: {  	v2 =	vld [tilespmem:$0xCE0]  }
0xd1: {  	v3 =	vadd.f32 v4, v3;
	v4 =	vld [tilespmem:$0x1FEC0];
	_ =	sdelay $0x1  }
0xd2: {  	v6 =	vmul.f32 v1, v6;
	_ =	sdelay $0x1  }
0xd3: {  	v5 =	vadd.f32 v6, v5;
	v6 =	vld [tilespmem:$0x1FE60]  }
0xd4: {  	v4 =	vmul.f32 v2, v4;
	_ =	sdelay $0x1  }
0xd5: {  	v3 =	vadd.f32 v4, v3;
	v4 =	vld [tilespmem:$0x1FF60];
	_ =	sdelay $0x1  }
0xd6: {  	v8 =	vld [tilespmem:$0x1FFA0];
	v6 =	vmul.f32 v2, v6  }
0xd7: {  	v9 =	vld [tilespmem:$0x1FDF0]  }
0xd8: {  	v5 =	vadd.f32 v6, v5;
	v6 =	vld [tilespmem:$0x1FE20]  }
0xd9: {  	v7 =	vld [tilespmem:$0x1FD90];
	v4 =	vmul.f32 v0, v4  }
0xda: {  	v10 =	vld [tilespmem:$0x1FEF0]  }
0xdb: {  	v4 =	vadd.f32 v4, v8;
	v8 =	vld [tilespmem:$0x1FEE0];
	_ =	sdelay $0x1  }
0xdc: {  	v11 =	vld [tilespmem:$0x1FE40];
	v9 =	vmul.f32 v0, v9;
	v6 =	vmul.f32 v1, v6  }
0xdd: {  	v12 =	vld [tilespmem:$0x1FF10];
	v7 =	vmul.f32 v1, v7  }
0xde: {  	v10 =	vmul.f32 v2, v10;
	v6 =	vadd.f32 v6, v9;
	v9 =	vld [tilespmem:$0x1FF00]  }
0xdf: {  	v4 =	vadd.f32 v7, v4;
	v7 =	vld [tilespmem:$0x1FE50];
	v8 =	vmul.f32 v2, v8  }
0xe0: {  	v6 =	vadd.f32 v10, v6;
	v10 =	vld [tilespmem:$0x1FF30]  }
0xe1: {  	v4 =	vadd.f32 v8, v4;
	v8 =	vld [tilespmem:$0x1FF20];
	_ =	sdelay $0x1  }
0xe2: {  	v12 =	vmul.f32 v1, v12;
	v9 =	vmul.f32 v0, v9  }
0xe3: {  	v11 =	vmul.f32 v1, v11;
	v7 =	vmul.f32 v0, v7  }
0xe4: {  	v9 =	vadd.f32 v12, v9;
	v10 =	vmul.f32 v2, v10;
	v12 =	vld [tilespmem:$0x1FDB0]  }
0xe5: {  	v7 =	vadd.f32 v11, v7;
	v11 =	vld [tilespmem:$0x1FE90];
	v8 =	vmul.f32 v2, v8  }
0xe6: {  	v9 =	vadd.f32 v10, v9;
	v10 =	vld [tilespmem:$0x1FD80]  }
0xe7: {  	v7 =	vadd.f32 v8, v7;
	v8 =	vld [tilespmem:$0x1FE80];
	_ =	sdelay $0x3  }
0xe8: {  	v12 =	vmul.f32 v1, v12;
	v10 =	vmul.f32 v0, v10  }
0xe9: {  	v11 =	vmul.f32 v1, v11;
	v8 =	vmul.f32 v0, v8  }
0xea: {  	[tilespmem:$0x1160] =	vst v5;
	v5 =	vadd.f32 v12, v10;
	v12 =	vld [tilespmem:$0x1FF80]  }
0xeb: {  	[tilespmem:$0x1060] =	vst v3;
	v3 =	vadd.f32 v11, v8;
	v8 =	vld [tilespmem:$0x1FED0]  }
0xec: {  	v11 =	vld [tilespmem:$0x1FF40];
	_ =	sdelay $0x2  }
0xed: {  	v10 =	vmul.f32 v0, v17  }
0xee: {  	[tilespmem:$0x1360] =	vst v6;
	v12 =	vmul.f32 v1, v12;
	v8 =	vmul.f32 v2, v8  }
0xef: {  	v6 =	vmul.f32 v1, v15;
	[tilespmem:$0x1260] =	vst v4;
	v4 =	vld [tilespmem:$0x1FF70];
	v11 =	vmul.f32 v2, v11  }
0xf0: {  	[tilespmem:$0x1460] =	vst v7;
	v7 =	vadd.f32 v12, v10;
	v10 =	vld [tilespmem:$0x1FFC0];
	v3 =	vadd.f32 v8, v3;
	v8 =	vmul.f32 v0, v16  }
0xf1: {  	v5 =	vadd.f32 v11, v5;
	v11 =	vld [tilespmem:$0x1FFB0]  }
0xf2: {  	v6 =	vadd.f32 v6, v8;
	v8 =	vld [tilespmem:$0x1FEB0];
	_ =	sdelay $0x2  }
0xf3: {  	v4 =	vmul.f32 v2, v4;
	v12 =	vmul.f32 v1, v18  }
0xf4: {  	v10 =	vmul.f32 v0, v10;
	v0 =	vmul.f32 v0, v13  }
0xf5: {  	[tilespmem:$0x1560] =	vst v9;
	v11 =	vmul.f32 v2, v11;
	v1 =	vmul.f32 v1, v8  }
0xf6: {  	[tilespmem:$0x1660] =	vst v3;
	v3 =	vadd.f32 v4, v7;
	v4 =	vadd.f32 v12, v10;
	v7 =	vmul.f32 v2, v14  }
0xf7: {  	[tilespmem:$0x1760] =	vst v5;
	v5 =	vadd.f32 v11, v6;
	v0 =	vadd.f32 v1, v0;
	v1 =	vmul.f32 v2, v19  }
0xf8: {  	[tilespmem:$0x1860] =	vst v3;
	v2 =	vadd.f32 v7, v4  }
0xf9: {  	[tilespmem:$0x1960] =	vst v5;
	v0 =	vadd.f32 v1, v0  }
0xfa: {  	[tilespmem:$0x1A60] =	vst v2  }
0xfb: {  	s0 =	simm.s32 $0x1;
	[tilespmem:$0x1B60] =	vst v0  }
0xfc: {  	_ =	swait.ge [sflag:s0], $0x800  }
0xfd: {  	[sflag:s0] =	ssyncset.done $0x0  }
0xfe: {  	s8 =	simm.s32 $0x2;
	[sflag:s0] =	ssyncadd.s32 $0xFFFFF800  }
0xff: {  	_ =	swait.ge [sflag:s8], $0x200  }
0x100: {  	[sflag:s8] =	ssyncset.done $0x0  }
0x101: {  	s9 =	simm.s32 $0x0;
	[sflag:s8] =	ssyncadd.s32 $0xFFFFFE00  }
0x102: {  	v0 =	vld [tilespmem:s9+$0x830]  }
0x103: {  	v1 =	vld [tilespmem:s9+$0x800];
	_ =	sdelay $0x1  }
0x104: {  	v2 =	vld [tilespmem:s9+$0x810];
	_ =	sdelay $0x1  }
0x105: {  	v3 =	vld [tilespmem:s9+$0x820];
	_ =	sdelay $0x1  }
0x106: {  	s14 =	simm.s32 $0xA00  }
0x107: {  	v4 =	vld.idx.msk [tilespmem:v0+s14+$0x0], $0xffff  }
0x108: {  	v5 =	vld.idx.msk [tilespmem:v1+s14+$0x0], $0xffff  }
0x109: {  	s7 =	simm.s32 $0x0;
	s8 =	simm.s32 $0x30  }
0x10a: {  	s11 =	simm.s32 $0x0;
	s1 =	sand.u32 $0x600, s7;
	s10 =	sand.u32 $0x70, s8;
	v6 =	vld.idx.msk [tilespmem:v2+s14+$0x0], $0xffff  }
0x10b: {  	s3 =	sand.u32 $0x40, s11;
	s0 =	sor.u32 s1, s10  }
0x10c: {  	s4 =	simm.s32 $0x10;
	s15 =	simm.s32 $0xB00;
	s18 =	sor.u32 s3, s1;
	v7 =	vld.idx.msk [tilespmem:v3+s14+$0x0], $0xffff;
	[tilespmem:s0+$0x2380] =	vst v4  }
0x10d: {  	s4 =	sand.u32 $0x50, s4;
	[tilespmem:s18+$0x2380] =	vst v5;
	v4 =	vld.idx.msk [tilespmem:v0+s15+$0x0], $0xffff  }
0x10e: {  	s5 =	simm.s32 $0x20;
	s11 =	sor.u32 s1, s4;
	v5 =	vld.idx.msk [tilespmem:v1+s15+$0x0], $0xffff  }
0x10f: {  	s13 =	sand.u32 $0x60, s5;
	[tilespmem:s11+$0x2380] =	vst v6  }
0x110: {  	s6 =	sor.u32 s1, s13;
	v6 =	vld.idx.msk [tilespmem:v2+s15+$0x0], $0xffff  }
0x111: {  	[tilespmem:s6+$0x2380] =	vst v7  }
0x112: {  	v7 =	vld.idx.msk [tilespmem:v3+s15+$0x0], $0xffff;
	[tilespmem:s0+$0x2400] =	vst v4  }
0x113: {  	[tilespmem:s18+$0x2400] =	vst v5  }
0x114: {  	s23 =	simm.s32 $0xC00;
	v32 =	vld [tilespmem:$0x1FFD0]  }
0x115: {  	s17 =	sand.u32 $0x7, s7;
	v0 =	vld.idx.msk [tilespmem:v0+s23+$0x0], $0xffff;
	[tilespmem:s11+$0x2400] =	vst v6  }
0x116: {  	v31 =	vlaneseq.u32;
	s1 =	sshll.u32 s17, $0x4;
	v33 =	vld [tilespmem:$0x1FFE0]  }
0x117: {  	s1 =	sadd.s32 $0x0, s1;
	v4 =	vor.u32 s0, v31;
	[tilespmem:s6+$0x2400] =	vst v7  }
0x118: {  	s19 =	sadd.s32 $0x30, s1;
	v34 =	vld [tilespmem:$0x1FFF0]  }
0x119: {  	p0 =	por $0x0, $0x0;
	s4 =	simm.s32 $0x1;
	s19 =	sor.u32 $0x100, s19;
	v1 =	vld.idx.msk [tilespmem:v1+s23+$0x0], $0xffff;
	v5 =	vor.u32 s0, v32  }
0x11a: {  	s4 =	simm.s32 @!p0 $0x0;
	[tilespmem:s19+$0x2380] =	vst v0;
	v0 =	vor.u32 s18, v32  }
0x11b: {  	s20 =	sshll.u32 s4, $0x6;
	v2 =	vld.idx.msk [tilespmem:v2+s23+$0x0], $0xffff;
	v6 =	vor.u32 s0, v33  }
0x11c: {  	s3 =	sadd.s32 $0x0, s20;
	v16 =	vld.idx.msk [tilespmem:v4+s2+$0x0], $0xffff;
	v4 =	vor.u32 s18, v33  }
0x11d: {  	s9 =	sor.u32 $0x100, s3;
	v3 =	vld.idx.msk [tilespmem:v3+s23+$0x0], $0xffff;
	v7 =	vor.u32 s0, v34  }
0x11e: {  	v8 =	vor.u32 s18, v31;
	[tilespmem:s9+$0x2380] =	vst v1;
	v17 =	vld.idx.msk [tilespmem:v5+s2+$0x0], $0xffff  }
0x11f: {  	v5 =	vor.u32 s18, v34;
	v12 =	vld.idx.msk [tilespmem:v0+s2+$0x0], $0xffff  }
0x120: {  	v18 =	vld.idx.msk [tilespmem:v6+s2+$0x0], $0xffff  }
0x121: {  	v0 =	vor.u32 s11, v31;
	v13 =	vld.idx.msk [tilespmem:v4+s2+$0x0], $0xffff  }
0x122: {  	v4 =	vor.u32 s11, v32;
	v1 =	vld.idx.msk [tilespmem:v7+s2+$0x0], $0xffff  }
0x123: {  	s1 =	sadd.s32 $0x10, s1;
	v11 =	vld.idx.msk [tilespmem:v8+s2+$0x0], $0xffff  }
0x124: {  	s21 =	simm.s32 $0xF80;
	s10 =	sor.u32 $0x100, s1;
	v9 =	vld.idx.msk [tilespmem:v5+s2+$0x0], $0xffff  }
0x125: {  	[tilespmem:s10+$0x2380] =	vst v2;
	v5 =	vld.idx.msk [tilespmem:v16+s21+$0x0], $0xffff  }
0x126: {  	s22 =	sand.u32 $0x3, s7;
	v6 =	vor.u32 s11, v33;
	v15 =	vld.idx.msk [tilespmem:v0+s2+$0x0], $0xffff  }
0x127: {  	s25 =	simm.s32 $0x1280;
	s24 =	sshll.u32 s22, $0x5;
	v22 =	vor.u32 s6, v32;
	v14 =	vld.idx.msk [tilespmem:v4+s2+$0x0], $0xffff  }
0x128: {  	s26 =	simm.s32 $0x1580;
	s1 =	sadd.s32 $0x0, s24;
	v7 =	vor.u32 s11, v34;
	v19 =	vld.idx.msk [tilespmem:v17+s25+$0x0], $0xffff  }
0x129: {  	s28 =	simm.s32 $0x1880;
	v21 =	vor.u32 s6, v31;
	s1 =	sadd.s32 $0x20, s1;
	v20 =	vld.idx.msk [tilespmem:v18+s26+$0x0], $0xffff  }
0x12a: {  	s17 =	sor.u32 $0x100, s1;
	v2 =	vld.idx.msk [tilespmem:v1+s28+$0x0], $0xffff  }
0x12b: {  	[tilespmem:s17+$0x2380] =	vst v3;
	v4 =	vor.u32 s6, v34;
	v10 =	vld.idx.msk [tilespmem:v6+s2+$0x0], $0xffff  }
0x12c: {  	v0 =	vor.u32 s6, v33;
	v6 =	vld.idx.msk [tilespmem:v22+s2+$0x0], $0xffff  }
0x12d: {  	v8 =	vld.idx.msk [tilespmem:v7+s2+$0x0], $0xffff  }
0x12e: {  	v7 =	vld.idx.msk [tilespmem:v21+s2+$0x0], $0xffff  }
0x12f: {  	v59 =	vld.idx.msk [tilespmem:v13+s26+$0x0], $0xffff;
	v3 =	vadd.f32 v19, v5;
	v2 =	vadd.f32 v2, v20  }
0x130: {  	v4 =	vld.idx.msk [tilespmem:v4+s2+$0x0], $0xffff  }
0x131: {  	v5 =	vld.idx.msk [tilespmem:v0+s2+$0x0], $0xffff;
	v0 =	vadd.f32 v2, v3  }
0x132: {  	v23 =	vld.idx.msk [tilespmem:v9+s28+$0x0], $0xffff  }
0x133: {  	s29 =	simm.s32 $0x1080;
	v24 =	vld.idx.msk [tilespmem:v15+s21+$0x0], $0xffff;
	[tilespmem:s0+$0x1B80] =	vst v0  }
0x134: {  	s30 =	simm.s32 $0x1380;
	v0 =	vld.idx.msk [tilespmem:v16+s29+$0x0], $0xffff  }
0x135: {  	s31 =	simm.s32 $0x1680;
	v19 =	vld.idx.msk [tilespmem:v17+s30+$0x0], $0xffff  }
0x136: {  	s5 =	simm.s32 $0x1980;
	v20 =	vld.idx.msk [tilespmem:v18+s31+$0x0], $0xffff  }
0x137: {  	v58 =	vld.idx.msk [tilespmem:v1+s5+$0x0], $0xffff  }
0x138: {  	v25 =	vld.idx.msk [tilespmem:v14+s25+$0x0], $0xffff  }
0x139: {  	v26 =	vld.idx.msk [tilespmem:v10+s26+$0x0], $0xffff  }
0x13a: {  	v2 =	vld.idx.msk [tilespmem:v11+s21+$0x0], $0xffff  }
0x13b: {  	v3 =	vld.idx.msk [tilespmem:v12+s25+$0x0], $0xffff  }
0x13c: {  	v60 =	vld.idx.msk [tilespmem:v6+s25+$0x0], $0xffff;
	v0 =	vadd.f32 v19, v0;
	v19 =	vadd.f32 v58, v20  }
0x13d: {  	v27 =	vld.idx.msk [tilespmem:v8+s28+$0x0], $0xffff  }
0x13e: {  	v20 =	vld.idx.msk [tilespmem:v7+s21+$0x0], $0xffff;
	v0 =	vadd.f32 v19, v0  }
0x13f: {  	v19 =	vld.idx.msk [tilespmem:v5+s26+$0x0], $0xffff  }
0x140: {  	s13 =	simm.s32 $0x1180;
	v2 =	vadd.f32 v3, v2;
	v3 =	vadd.f32 v23, v59;
	[tilespmem:s0+$0x1C00] =	vst v0;
	v0 =	vld.idx.msk [tilespmem:v4+s28+$0x0], $0xffff  }
0x141: {  	v61 =	vld.idx.msk [tilespmem:v16+s13+$0x0], $0xffff  }
0x142: {  	v2 =	vadd.f32 v3, v2;
	v3 =	vld.idx.msk [tilespmem:v17+s12+$0x0], $0xffff  }
0x143: {  	s24 =	simm.s32 $0x1A80;
	v17 =	vld.idx.msk [tilespmem:v18+s16+$0x0], $0xffff  }
0x144: {  	[tilespmem:s18+$0x1B80] =	vst v2;
	v2 =	vadd.f32 v27, v26;
	v16 =	vadd.f32 v25, v24;
	v1 =	vld.idx.msk [tilespmem:v1+s24+$0x0], $0xffff  }
0x145: {  	v62 =	vld.idx.msk [tilespmem:v11+s29+$0x0], $0xffff  }
0x146: {  	v63 =	vld.idx.msk [tilespmem:v12+s30+$0x0], $0xffff;
	v2 =	vadd.f32 v2, v16  }
0x147: {  	v18 =	vld.idx.msk [tilespmem:v9+s5+$0x0], $0xffff  }
0x148: {  	v20 =	vadd.f32 v60, v20;
	v16 =	vld.idx.msk [tilespmem:v13+s31+$0x0], $0xffff;
	v0 =	vadd.f32 v0, v19;
	[tilespmem:s11+$0x1B80] =	vst v2  }
0x149: {  	v1 =	vadd.f32 v1, v17;
	v2 =	vld.idx.msk [tilespmem:v10+s31+$0x0], $0xffff  }
0x14a: {  	v17 =	vld.idx.msk [tilespmem:v8+s5+$0x0], $0xffff;
	v19 =	vadd.f32 v0, v20;
	v20 =	vadd.f32 v3, v61  }
0x14b: {  	p0 =	por !p0, !p0;
	v0 =	vld.idx.msk [tilespmem:v15+s29+$0x0], $0xffff  }
0x14c: {  	s20 =	simm.s32 $0x0;
	s22 =	simm.s32 $0x0;
	s21 =	simm.s32 $0x2;
	v3 =	vld.idx.msk [tilespmem:v14+s30+$0x0], $0xffff;
	[tilespmem:s6+$0x1B80] =	vst v19;
	v19 =	vadd.f32 v63, v62;
	v1 =	vadd.f32 v1, v20  }
.LBB2_4:
0x14d: {  	s0 =	simm.s32 $0x1  }
0x14e: {  	s1 =	sand.u32 $0x3, s21;
	v20 =	vld.idx.msk [tilespmem:v7+s29+$0x0], $0xffff;
	s0 =	simm.s32 @!p0 $0x0  }
0x14f: {  	v16 =	vadd.f32 v18, v16;
	s7 =	sadd.s32 $0x100, s7;
	s1 =	sshll.u32 s1, $0x5;
	s0 =	sshll.u32 s0, $0x6;
	v18 =	vld.idx.msk [tilespmem:v6+s30+$0x0], $0xffff;
	[tilespmem:s19+$0x1B80] =	vst v1  }
0x150: {  	s4 =	sshra.s32 s7, $0x2;
	s1 =	sadd.s32 s7, s1;
	s0 =	sadd.s32 s0, s7;
	v1 =	vld.idx.msk [tilespmem:v5+s31+$0x0], $0xffff  }
0x151: {  	v16 =	vadd.f32 v16, v19;
	v0 =	vadd.f32 v3, v0;
	s3 =	sor.u32 $0x100, s0;
	s0 =	sadd.s32 $0x20, s1;
	v21 =	vld [tilespmem:s4+$0x830]  }
0x152: {  	v3 =	vld [tilespmem:s4+$0x800];
	s1 =	sor.u32 $0x100, s0  }
0x153: {  	v2 =	vadd.f32 v17, v2;
	v19 =	vld [tilespmem:s4+$0x810];
	[tilespmem:s18+$0x1C00] =	vst v16  }
0x154: {  	v16 =	vld [tilespmem:s4+$0x820]  }
0x155: {  	v0 =	vadd.f32 v2, v0;
	v17 =	vadd.f32 v18, v20;
	v2 =	vld.idx.msk [tilespmem:v4+s5+$0x0], $0xffff  }
0x156: {  	v11 =	vld.idx.msk [tilespmem:v11+s13+$0x0], $0xffff  }
0x157: {  	v12 =	vld.idx.msk [tilespmem:v12+s12+$0x0], $0xffff;
	[tilespmem:s11+$0x1C00] =	vst v0  }
0x158: {  	v0 =	vld.idx.msk [tilespmem:v13+s16+$0x0], $0xffff  }
0x159: {  	s20 =	sadd.s32 $0x4, s20;
	v13 =	vld.idx.msk [tilespmem:v21+s14+$0x0], $0xffff  }
0x15a: {  	p1 =	slt.u32 s20, $0x1C;
	v18 =	vld.idx.msk [tilespmem:v3+s14+$0x0], $0xffff  }
0x15b: {  	s8 =	sadd.s32 $0x40, s8;
	v1 =	vadd.f32 v2, v1;
	v20 =	vld.idx.msk [tilespmem:v19+s14+$0x0], $0xffff  }
0x15c: {  	s0 =	sand.u32 $0x70, s8;
	s18 =	simm.s32 $0x1180;
	v2 =	vld.idx.msk [tilespmem:v16+s14+$0x0], $0xffff  }
0x15d: {  	s4 =	sadd.s32 $0xFFFFFFD0, s8;
	s5 =	sand.u32 $0x600, s7;
	s11 =	sadd.s32 $0xFFFFFFE0, s8;
	v11 =	vadd.f32 v12, v11;
	v1 =	vadd.f32 v1, v17;
	v9 =	vld.idx.msk [tilespmem:v9+s24+$0x0], $0xffff  }
0x15e: {  	s13 =	sadd.s32 $0xFFFFFFF0, s8;
	s0 =	sor.u32 s5, s0;
	s11 =	sand.u32 $0x50, s11;
	v12 =	vld.idx.msk [tilespmem:v15+s18+$0x0], $0xffff  }
0x15f: {  	s4 =	sand.u32 $0x40, s4;
	s13 =	sand.u32 $0x60, s13;
	s11 =	sor.u32 s5, s11;
	[tilespmem:s0+$0x2380] =	vst v13;
	v13 =	vld.idx.msk [tilespmem:v14+s12+$0x0], $0xffff  }
0x160: {  	s18 =	sor.u32 s4, s5;
	v14 =	vld.idx.msk [tilespmem:v21+s15+$0x0], $0xffff;
	[tilespmem:s6+$0x1C00] =	vst v1;
	s6 =	sor.u32 s5, s13;
	s13 =	simm.s32 $0x1180  }
0x161: {  	v15 =	vor.u32 s18, v32;
	v17 =	vor.u32 s18, v33;
	v1 =	vor.u32 s18, v31;
	[tilespmem:s18+$0x2380] =	vst v18;
	v10 =	vld.idx.msk [tilespmem:v10+s16+$0x0], $0xffff  }
0x162: {  	v23 =	vor.u32 s11, v32;
	v22 =	vor.u32 s18, v34;
	v18 =	vld.idx.msk [tilespmem:v3+s15+$0x0], $0xffff;
	[tilespmem:s11+$0x2380] =	vst v20;
	v20 =	vor.u32 s11, v31  }
0x163: {  	v25 =	vor.u32 s11, v33;
	v26 =	vor.u32 s11, v34;
	v24 =	vld.idx.msk [tilespmem:v19+s15+$0x0], $0xffff;
	[tilespmem:s6+$0x2380] =	vst v2;
	v2 =	vor.u32 s6, v31  }
0x164: {  	v28 =	vor.u32 s6, v32;
	v29 =	vor.u32 s6, v33;
	v30 =	vor.u32 s6, v34;
	v27 =	vld.idx.msk [tilespmem:v16+s15+$0x0], $0xffff  }
0x165: {  	v0 =	vadd.f32 v9, v0;
	v9 =	vadd.f32 v13, v12;
	v8 =	vld.idx.msk [tilespmem:v8+s24+$0x0], $0xffff  }
0x166: {  	[tilespmem:s0+$0x2400] =	vst v14;
	v7 =	vld.idx.msk [tilespmem:v7+s13+$0x0], $0xffff  }
0x167: {  	s22 =	sadd.s32 $0x4, s22;
	v0 =	vadd.f32 v0, v11;
	v12 =	vld.idx.msk [tilespmem:v21+s23+$0x0], $0xffff  }
0x168: {  	s4 =	sand.u32 $0x7, s22;
	[tilespmem:s18+$0x2400] =	vst v18;
	v6 =	vld.idx.msk [tilespmem:v6+s12+$0x0], $0xffff  }
0x169: {  	s4 =	sshll.u32 s4, $0x4;
	v11 =	vor.u32 s0, v31;
	v3 =	vld.idx.msk [tilespmem:v3+s23+$0x0], $0xffff;
	[tilespmem:s11+$0x2400] =	vst v24  }
0x16a: {  	s4 =	sadd.s32 s7, s4;
	v14 =	vor.u32 s0, v32;
	v13 =	vld.idx.msk [tilespmem:v19+s23+$0x0], $0xffff;
	[tilespmem:s6+$0x2400] =	vst v27  }
0x16b: {  	s5 =	sadd.s32 $0x30, s4;
	s4 =	sadd.s32 $0x10, s4;
	v18 =	vor.u32 s0, v33;
	v16 =	vld.idx.msk [tilespmem:v16+s23+$0x0], $0xffff;
	[tilespmem:s9+$0x1B80] =	vst v0;
	v0 =	vadd.f32 v8, v10;
	s9 =	smov.u32 s3  }
0x16c: {  	s19 =	sor.u32 $0x100, s5;
	s5 =	simm.s32 $0x1980;
	s3 =	sor.u32 $0x100, s4;
	v8 =	vor.u32 s0, v34;
	v5 =	vld.idx.msk [tilespmem:v5+s16+$0x0], $0xffff  }
0x16d: {  	[tilespmem:s19+$0x2380] =	vst v12;
	v0 =	vadd.f32 v0, v9;
	v4 =	vld.idx.msk [tilespmem:v4+s24+$0x0], $0xffff  }
0x16e: {  	v6 =	vadd.f32 v6, v7;
	v19 =	vld.idx.msk [tilespmem:v11+s2+$0x0], $0xffff  }
0x16f: {  	[tilespmem:s9+$0x2380] =	vst v3;
	v3 =	vld.idx.msk [tilespmem:v14+s2+$0x0], $0xffff  }
0x170: {  	[tilespmem:s3+$0x2380] =	vst v13;
	v18 =	vld.idx.msk [tilespmem:v18+s2+$0x0], $0xffff  }
0x171: {  	[tilespmem:s1+$0x2380] =	vst v16;
	v16 =	vld.idx.msk [tilespmem:v8+s2+$0x0], $0xffff  }
0x172: {  	v11 =	vld.idx.msk [tilespmem:v1+s2+$0x0], $0xffff;
	[tilespmem:s10+$0x1B80] =	vst v0;
	s10 =	smov.u32 s3  }
0x173: {  	v0 =	vadd.f32 v4, v5;
	v12 =	vld.idx.msk [tilespmem:v15+s2+$0x0], $0xffff  }
0x174: {  	v13 =	vld.idx.msk [tilespmem:v17+s2+$0x0], $0xffff  }
0x175: {  	s3 =	simm.s32 $0xF80;
	v0 =	vadd.f32 v0, v6;
	v9 =	vld.idx.msk [tilespmem:v22+s2+$0x0], $0xffff  }
0x176: {  	v1 =	vld.idx.msk [tilespmem:v19+s3+$0x0], $0xffff  }
0x177: {  	v4 =	vld.idx.msk [tilespmem:v3+s25+$0x0], $0xffff;
	[tilespmem:s17+$0x1B80] =	vst v0;
	s17 =	smov.u32 s1  }
0x178: {  	v0 =	vld.idx.msk [tilespmem:v18+s26+$0x0], $0xffff  }
0x179: {  	v5 =	vld.idx.msk [tilespmem:v16+s28+$0x0], $0xffff  }
0x17a: {  	v15 =	vld.idx.msk [tilespmem:v20+s2+$0x0], $0xffff  }
0x17b: {  	v14 =	vld.idx.msk [tilespmem:v23+s2+$0x0], $0xffff  }
0x17c: {  	v10 =	vld.idx.msk [tilespmem:v25+s2+$0x0], $0xffff  }
0x17d: {  	v8 =	vld.idx.msk [tilespmem:v26+s2+$0x0], $0xffff  }
0x17e: {  	v7 =	vld.idx.msk [tilespmem:v2+s2+$0x0], $0xffff  }
0x17f: {  	v1 =	vadd.f32 v4, v1;
	v0 =	vadd.f32 v5, v0;
	v6 =	vld.idx.msk [tilespmem:v28+s2+$0x0], $0xffff  }
0x180: {  	v5 =	vld.idx.msk [tilespmem:v29+s2+$0x0], $0xffff  }
0x181: {  	v0 =	vadd.f32 v0, v1;
	v4 =	vld.idx.msk [tilespmem:v30+s2+$0x0], $0xffff  }
0x182: {  	v1 =	vld.idx.msk [tilespmem:v11+s3+$0x0], $0xffff  }
0x183: {  	v2 =	vld.idx.msk [tilespmem:v12+s25+$0x0], $0xffff;
	[tilespmem:s0+$0x1B80] =	vst v0  }
0x184: {  	v0 =	vld.idx.msk [tilespmem:v19+s29+$0x0], $0xffff  }
0x185: {  	v17 =	vld.idx.msk [tilespmem:v3+s30+$0x0], $0xffff  }
0x186: {  	v20 =	vld.idx.msk [tilespmem:v18+s31+$0x0], $0xffff  }
0x187: {  	v21 =	vld.idx.msk [tilespmem:v16+s5+$0x0], $0xffff  }
0x188: {  	v22 =	vld.idx.msk [tilespmem:v13+s26+$0x0], $0xffff  }
0x189: {  	v1 =	vadd.f32 v2, v1;
	v23 =	vld.idx.msk [tilespmem:v9+s28+$0x0], $0xffff  }
0x18a: {  	v2 =	vld.idx.msk [tilespmem:v15+s3+$0x0], $0xffff  }
0x18b: {  	v24 =	vld.idx.msk [tilespmem:v14+s25+$0x0], $0xffff  }
0x18c: {  	v25 =	vld.idx.msk [tilespmem:v10+s26+$0x0], $0xffff  }
0x18d: {  	v0 =	vadd.f32 v17, v0;
	v17 =	vadd.f32 v21, v20;
	v26 =	vld.idx.msk [tilespmem:v8+s28+$0x0], $0xffff  }
0x18e: {  	v20 =	vld.idx.msk [tilespmem:v7+s3+$0x0], $0xffff  }
0x18f: {  	v21 =	vadd.f32 v23, v22;
	v0 =	vadd.f32 v17, v0;
	v22 =	vld.idx.msk [tilespmem:v6+s25+$0x0], $0xffff  }
0x190: {  	v17 =	vld.idx.msk [tilespmem:v5+s26+$0x0], $0xffff  }
0x191: {  	v1 =	vadd.f32 v21, v1;
	v2 =	vadd.f32 v24, v2;
	v21 =	vld.idx.msk [tilespmem:v4+s28+$0x0], $0xffff;
	[tilespmem:s0+$0x1C00] =	vst v0  }
0x192: {  	v19 =	vld.idx.msk [tilespmem:v19+s13+$0x0], $0xffff  }
0x193: {  	v0 =	vadd.f32 v26, v25;
	[tilespmem:s18+$0x1B80] =	vst v1;
	v1 =	vld.idx.msk [tilespmem:v3+s12+$0x0], $0xffff  }
0x194: {  	v23 =	vld.idx.msk [tilespmem:v18+s16+$0x0], $0xffff  }
0x195: {  	v0 =	vadd.f32 v0, v2;
	v2 =	vadd.f32 v22, v20;
	v20 =	vld.idx.msk [tilespmem:v16+s24+$0x0], $0xffff  }
0x196: {  	v22 =	vld.idx.msk [tilespmem:v11+s29+$0x0], $0xffff  }
0x197: {  	v24 =	vld.idx.msk [tilespmem:v12+s30+$0x0], $0xffff;
	[tilespmem:s11+$0x1B80] =	vst v0;
	v0 =	vadd.f32 v21, v17  }
0x198: {  	v16 =	vld.idx.msk [tilespmem:v13+s31+$0x0], $0xffff  }
.Ltmp1:
0x199: {  	v18 =	vld.idx.msk [tilespmem:v9+s5+$0x0], $0xffff;
	v2 =	vadd.f32 v0, v2;
	(pc) =	sbr.rel @p1 .LBB2_4-.Ltmp1, $4  }
0x19a: {  	v0 =	vld.idx.msk [tilespmem:v15+s29+$0x0], $0xffff  }
0x19b: {  	v1 =	vadd.f32 v1, v19;
	v20 =	vadd.f32 v20, v23;
	v3 =	vld.idx.msk [tilespmem:v14+s30+$0x0], $0xffff;
	[tilespmem:s6+$0x1B80] =	vst v2  }
0x19c: {  	v2 =	vld.idx.msk [tilespmem:v10+s31+$0x0], $0xffff  }
0x19d: {  	s21 =	sadd.s32 $0x2, s21;
	p0 =	por !p0, !p0;
	v19 =	vadd.f32 v24, v22;
	v1 =	vadd.f32 v20, v1;
	v17 =	vld.idx.msk [tilespmem:v8+s5+$0x0], $0xffff  }
0x19e: {  	_ =	sdelay $0x3  }
0x19f: {  	v20 =	vld.idx.msk [tilespmem:v7+s29+$0x0], $0xffff;
	v16 =	vadd.f32 v18, v16  }
0x1a0: {  	v46 =	vld.idx.msk [tilespmem:v6+s30+$0x0], $0xffff  }
0x1a1: {  	v21 =	vld.idx.msk [tilespmem:v5+s31+$0x0], $0xffff;
	v16 =	vadd.f32 v16, v19  }
0x1a2: {  	v47 =	vld.idx.msk [tilespmem:v4+s5+$0x0], $0xffff  }
0x1a3: {  	v0 =	vadd.f32 v3, v0;
	[tilespmem:s18+$0x1C00] =	vst v16;
	v2 =	vadd.f32 v17, v2  }
0x1a4: {  	v48 =	vld.idx.msk [tilespmem:v11+s13+$0x0], $0xffff  }
0x1a5: {  	v49 =	vld.idx.msk [tilespmem:v12+s12+$0x0], $0xffff;
	v0 =	vadd.f32 v2, v0  }
0x1a6: {  	v50 =	vld.idx.msk [tilespmem:v13+s16+$0x0], $0xffff  }
0x1a7: {  	v51 =	vadd.f32 v46, v20;
	v52 =	vadd.f32 v47, v21;
	v9 =	vld.idx.msk [tilespmem:v9+s24+$0x0], $0xffff;
	[tilespmem:s11+$0x1C00] =	vst v0  }
0x1a8: {  	v53 =	vld.idx.msk [tilespmem:v15+s13+$0x0], $0xffff  }
0x1a9: {  	v0 =	vadd.f32 v52, v51;
	v54 =	vld.idx.msk [tilespmem:v14+s12+$0x0], $0xffff  }
0x1aa: {  	v10 =	vld.idx.msk [tilespmem:v10+s16+$0x0], $0xffff  }
0x1ab: {  	v55 =	vld.idx.msk [tilespmem:v8+s24+$0x0], $0xffff;
	[tilespmem:s6+$0x1C00] =	vst v0  }
0x1ac: {  	v56 =	vld.idx.msk [tilespmem:v7+s13+$0x0], $0xffff  }
0x1ad: {  	v57 =	vld.idx.msk [tilespmem:v6+s12+$0x0], $0xffff  }
0x1ae: {  	v58 =	vld.idx.msk [tilespmem:v5+s16+$0x0], $0xffff  }
0x1af: {  	v59 =	vld.idx.msk [tilespmem:v4+s24+$0x0], $0xffff  }
0x1b0: {  	v2 =	vadd.f32 v49, v48;
	v60 =	vadd.f32 v9, v50;
	_ =	sdelay $0x1  }
0x1b1: {  	v2 =	vadd.f32 v60, v2  }
0x1b2: {  	v61 =	vadd.f32 v54, v53;
	v0 =	vadd.f32 v55, v10  }
0x1b3: {  	v62 =	vadd.f32 v57, v56;
	v4 =	vadd.f32 v59, v58  }
0x1b4: {  	[tilespmem:s19+$0x1B80] =	vst v1;
	v0 =	vadd.f32 v0, v61  }
0x1b5: {  	[tilespmem:s9+$0x1B80] =	vst v2;
	v63 =	vadd.f32 v4, v62  }
0x1b6: {  	[tilespmem:s10+$0x1B80] =	vst v0  }
0x1b7: {  	[tilespmem:s17+$0x1B80] =	vst v63  }
0x1b8: {  	s1 =	simm.s32 $0x1B80;
	s0 =	rddreg [dreg:$0xc]  }
0x1b9: {  	[hbm4b:s0+s2] =	stream.linear.scatter [tilespmem:s1], [sflag:$0x7], $0x800, $0x38;
	[tilespmem:$0x2B80] =	vst v63  }
0x1ba: {  	s28 =	simm.s32 $0x2380;
	s29 =	simm.s32 $0x7;
	s26 =	rddreg [dreg:$0xd]  }
0x1bb: {  	[hbm4b:s26+s2] =	stream.linear.scatter [tilespmem:s28], [sflag:$0x8], $0x800, $0x38;
	[tilespmem:$0x2B80] =	vst v63  }
0x1bc: {  	_ =	swait.ge [sflag:s29], $0x800  }
0x1bd: {  	[sflag:s29] =	ssyncset.done $0x0  }
0x1be: {  	s30 =	simm.s32 $0x8;
	[sflag:s29] =	ssyncadd.s32 $0xFFFFF800  }
0x1bf: {  	_ =	swait.ge [sflag:s30], $0x800  }
0x1c0: {  	s3 =	rddreg [dreg:$0xf]  }
0x1c1: {  	s31 =	rddreg [dreg:$0xe];
	s3 =	sadd.s32 $0x1, s3  }
0x1c2: {  	p0 =	sne.s32 s3, s31  }
.Ltmp2:
0x1c3: {  	_ = 	snop;
	(pc) =	sbr.rel @p0 .LBB2_1-.Ltmp2, $3  }
0x1c4: {  	_ =	sdelay $0x1  }
0x1c5: {  	[sflag:s30] =	ssyncset.done $0x0  }
0x1c6: {  	[sflag:s30] =	ssyncadd.s32 $0xFFFFF800  }
0x1c7: {  	_ =	sfence.sel $0x180000  }
0x1c8: {  	[bflag:$0x0] =	sbarrier.arrive $0xFFFF  }
0x1c9: {  	_ =	strace $0x90000047  }
0x1ca: {  	s0 =	stileid.u32;
	[bflag:$0x2] =	sbarrier.arrive $0xFFFF  }
0x1cb: {  	p0 =	sne.s32 s0, $0x0;
	s0 =	rddreg [dreg:$0x5]  }
0x1cc: {  	s0 =	sadd.s32 @!p0 $0x100000, s0  }
0x1cd: {  	[sflag:s0] =	ssyncadd.tile.s32 @!p0 $0x1;
	_ =	shalt  }
.Lfunc_end2:
_tile_overlayer_lowered:
.L_overlay_start_2:
0x1ce: {  	(tag) =	ssettag $0x2  }
0x1cf: {  	s0 =	rddreg [dreg:$0x0];
	s2 =	stileid.u32  }
0x1d0: {  	s1 =	rddreg [dreg:$0x1];
	p0 =	sne.s32 s2, $0x0  }
0x1d1: {  	s3 =	rddreg [dreg:$0x2];
	[bflag:$0x3] =	sbarrier.arrive $0xFFFF;
	s2 =	simm.s32 @!p0 $0x1C09  }
0x1d2: {  	[timem:s3], [sflag:s2] =	dma.local @!p0 [hbm:s0], s1  }
0x1d3: {  	s0 =	simm.s32 @!p0 $0x9  }
0x1d4: {  	_ =	swait.ge @!p0 [sflag:s0], s1  }
0x1d5: {  	s1 =	ssub.s32 @!p0 $0x0, s1;
	[sflag:s0] =	ssyncset.done @!p0 $0x0  }
0x1d6: {  	[sflag:s0] =	ssyncadd.s32 @!p0 s1  }
0x1d7: {  	[bflag:$0x3] =	sbarrier.arrive $0xFFFF  }
0x1d8: {  	_ =	shalt  }

</sc_bundles>
